<compile_context>
chip_gen: v7x
topology: tpu7x:2x2x1
jax: 0.10.2.dev20260603
libtpu: 0.0.44.dev20260713+nightly
codegen_flags: <defaults>
</compile_context>

<pallas_src>
import functools

import jax
import jax.numpy as jnp
from jax import lax
from jax.experimental import pallas as pl
from jax.experimental.pallas import tpu as pltpu
from jax.experimental.pallas import tpu_sc as plsc

BATCH = 4096
ND = 13
NF = 26
NV = 100000
NE = 16
KFM = 8
FN = ND + NF * NE
H1, H2, H3 = 256, 128, 64

NPLANE = NF * NE
ALIGNED = 99968
TAILW = NV - ALIGNED
CW = 4224
NCH = 24
LASTBASE = ALIGNED - CW
MAGIC = 1986
SLOT = 336
NSTEP = 2 * NCH

_sc_mesh = plsc.VectorSubcoreMesh(core_axis_name="c", subcore_axis_name="s")


@functools.partial(
    pl.kernel,
    mesh=_sc_mesh,
    out_type=jax.ShapeDtypeStruct((NPLANE, BATCH), jnp.float32),
    scratch_types=[
        pltpu.VMEM((8, CW), jnp.float32),
        pltpu.VMEM((8, CW), jnp.float32),
        pltpu.VMEM((BATCH,), jnp.float32),
        pltpu.VMEM((BATCH,), jnp.int32),
        pltpu.VMEM((BATCH,), jnp.int32),
        pltpu.VMEM((TAILW * NE,), jnp.float32),
        pltpu.VMEM((NCH, SLOT + 16), jnp.int32),
        pltpu.VMEM((8, BATCH), jnp.float32),
        pltpu.SMEM((4 + NCH,), jnp.int32),
        pltpu.SemaphoreType.DMA,
        pltpu.SemaphoreType.DMA,
    ],
    compiler_params=pltpu.CompilerParams(needs_layout_passes=False),
)
def _sc_gather(tab_hbm, idxT_hbm, tail_hbm, out_hbm,
               s0, s1, idxf_v, idx_v, cid_v, tail_v, bkt_v, row_v, cnt_s,
               sem0, sem1):
    wid = lax.axis_index("s") * 2 + lax.axis_index("c")

    @pl.when(wid < NF)
    def _work():
        f = wid
        pltpu.sync_copy(idxT_hbm.at[f], idxf_v)
        pltpu.sync_copy(tail_hbm.at[pl.ds(f * TAILW * NE, TAILW * NE)], tail_v)

        lanes = lax.iota(jnp.int32, 16)
        zeros = lanes - lanes

        def conv(i, _):
            sl = pl.ds(i * 16, 16)
            v = idxf_v[sl].astype(jnp.int32)
            idx_v[sl] = v
            cid_v[sl] = jnp.minimum(
                ((v >> 7) * MAGIC) >> 16, jnp.int32(NCH - 1))
            return 0
        lax.fori_loop(0, BATCH // 16, conv, 0)

        def chunk_base(c):
            return jnp.where(c == NCH - 1, jnp.int32(LASTBASE), c * CW)

        def fire(k, strip, sem):
            oct_ = k // NCH
            c = k % NCH
            pltpu.async_copy(
                tab_hbm.at[pl.ds(f * NE + oct_ * 8, 8),
                           pl.ds(chunk_base(c), CW)],
                strip, sem)

        def drain(strip, sem):
            pltpu.make_async_copy(
                tab_hbm.at[pl.ds(0, 8), pl.ds(0, CW)], strip, sem).wait()

        fire(0, s0, sem0)

        def bucket_chunk(c, _):
            def scan(i, off):
                sl = pl.ds(i * 16, 16)
                m = cid_v[sl] == c
                plsc.store_compressed(
                    bkt_v.at[c, pl.ds(off, 16)], i * 16 + lanes, mask=m)
                return off + plsc.all_reduce_population_count(m)[0]
            n = lax.fori_loop(0, BATCH // 16, scan, jnp.int32(0))
            cnt_s[4 + c] = n
            return 0
        lax.fori_loop(0, NCH, bucket_chunk, 0)

        def step(k, _):
            oct_ = k // NCH
            c = k % NCH

            @pl.when(k + 1 < NSTEP)
            def _fire_next():
                @pl.when(((k + 1) & 1) == 0)
                def _f0():
                    fire(k + 1, s0, sem0)

                @pl.when(((k + 1) & 1) == 1)
                def _f1():
                    fire(k + 1, s1, sem1)

            n = cnt_s[4 + c]
            base = chunk_base(c)

            def make_extract(strip):
                def extract(j, _):
                    sl = pl.ds(j * 16, 16)
                    b = bkt_v[c, sl] & jnp.int32(BATCH - 1)
                    m = (j * 16 + lanes) < n
                    v = plsc.load_gather(idx_v, [b])
                    loc = jnp.clip(v - base, 0, CW - 1)
                    for es in range(8):
                        sval = plsc.load_gather(strip, [zeros + es, loc])
                        plsc.store_scatter(
                            row_v, [zeros + es, b], sval, mask=m)
                    return 0
                return extract

            def tail_fix(j, _):
                sl = pl.ds(j * 16, 16)
                b = bkt_v[c, sl] & jnp.int32(BATCH - 1)
                v = plsc.load_gather(idx_v, [b])
                m = ((j * 16 + lanes) < n) & (v >= ALIGNED)
                tbase = jnp.clip(v - ALIGNED, 0, TAILW - 1) * NE + oct_ * 8
                for es in range(8):
                    tval = plsc.load_gather(tail_v, [tbase + es])
                    plsc.store_scatter(
                        row_v, [zeros + es, b], tval, mask=m)
                return 0

            nj = (n + 15) >> 4

            @pl.when((k & 1) == 0)
            def _u0():
                drain(s0, sem0)
                lax.fori_loop(0, nj, make_extract(s0), 0)

            @pl.when((k & 1) == 1)
            def _u1():
                drain(s1, sem1)
                lax.fori_loop(0, nj, make_extract(s1), 0)

            @pl.when(c == NCH - 1)
            def _flush():
                lax.fori_loop(0, nj, tail_fix, 0)
                pltpu.sync_copy(
                    row_v, out_hbm.at[pl.ds(f * NE + oct_ * 8, 8)])

            return 0

        lax.fori_loop(0, NSTEP, step, 0)


TB = 512
GRID = BATCH // TB


def _tc_body(d_ref, sT_ref, w0_ref, wd_ref, ws_ref, vd_ref, vs_ref,
             W1d_ref, W1s_ref, b1_ref, W2_ref, b2_ref, W3_ref, b3_ref,
             Wo_ref, bo_ref, o_ref):
    dotT = lambda a, b: lax.dot_general(
        a, b, (((0,), (0,)), ((), ())), preferred_element_type=jnp.float32)
    dot = lambda a, b: jnp.dot(a, b, preferred_element_type=jnp.float32)
    d = d_ref[...]
    sT = sT_ref[...]
    lin = dot(d, wd_ref[...]) + dotT(sT, ws_ref[...]) + w0_ref[0, 0]
    vd = vd_ref[...]
    vs = vs_ref[...]
    xv = dot(d, vd) + dotT(sT, vs)
    x2v2 = dot(d * d, vd * vd) + dotT(sT * sT, vs * vs)
    inter = 0.5 * jnp.sum(xv * xv - x2v2, axis=-1, keepdims=True)
    fm = jax.nn.sigmoid(lin + inter)
    h = jnp.maximum(dot(d, W1d_ref[...]) + dotT(sT, W1s_ref[...])
                    + b1_ref[...], 0.0)
    h = jnp.maximum(dot(h, W2_ref[...]) + b2_ref[...], 0.0)
    h = jnp.maximum(dot(h, W3_ref[...]) + b3_ref[...], 0.0)
    deep = dot(h, Wo_ref[...]) + bo_ref[0, 0]
    o_ref[...] = jax.nn.sigmoid(0.5 * (fm + deep))


def _full(shape):
    return pl.BlockSpec(shape, lambda i: (0, 0))


_tc_dense = pl.pallas_call(
    _tc_body,
    grid=(GRID,),
    in_specs=[
        pl.BlockSpec((TB, ND), lambda i: (i, 0)),
        pl.BlockSpec((NPLANE, TB), lambda i: (0, i)),
        _full((1, 1)), _full((ND, 1)), _full((NPLANE, 1)),
        _full((ND, KFM)), _full((NPLANE, KFM)),
        _full((ND, H1)), _full((NPLANE, H1)), _full((1, H1)),
        _full((H1, H2)), _full((1, H2)),
        _full((H2, H3)), _full((1, H3)),
        _full((H3, 1)), _full((1, 1)),
    ],
    out_specs=pl.BlockSpec((TB, 1), lambda i: (i, 0)),
    out_shape=jax.ShapeDtypeStruct((BATCH, 1), jnp.float32),
)


def kernel(inputs, emb_tables, w0, w, v, W1, b1, W2, b2, W3, b3, Wo, bo):
    d = inputs[:, :ND]
    idxT = inputs[:, ND:].T
    tabT = emb_tables.transpose(0, 2, 1).reshape(NPLANE, NV)
    tail = emb_tables[:, ALIGNED:, :].reshape(NF * TAILW * NE)
    sT = _sc_gather(tabT, idxT, tail)
    return _tc_dense(
        d, sT, w0.reshape(1, 1), w[:ND], w[ND:], v[:ND], v[ND:],
        W1[:ND], W1[ND:], b1.reshape(1, H1), W2, b2.reshape(1, H2),
        W3, b3.reshape(1, H3), Wo, bo.reshape(1, 1))

# --- scband reference (transcript-rebuilt; emitter-appended) ---
"""Pipeline reference for scband-deep-fm-41360535060792 (READ-ONLY COPY).

The authoritative reference and input builder live on the scoring server;
editing this copy changes nothing except your own understanding.
"""

import jax, jax.numpy as jnp
import numpy as np

B = 4096
DENSE = 13
SPARSE = 26
VOCAB = 100000
EMB = 16
K_FM = 8
F_N = DENSE + SPARSE * EMB  # 429
H1, H2, H3 = 256, 128, 64


def setup_inputs(seed: int = 0) -> dict:
    key = jax.random.key(seed)
    ks = jax.random.split(key, 16)
    dense = jax.random.normal(ks[0], (B, DENSE), dtype=jnp.float32)
    sparse = jax.random.randint(ks[1], (B, SPARSE), 0, VOCAB).astype(jnp.float32)
    inputs = jnp.concatenate([dense, sparse], axis=1)
    emb_tables = jax.random.normal(ks[2], (SPARSE, VOCAB, EMB), dtype=jnp.float32) * 0.05
    w0 = jnp.zeros((1,), dtype=jnp.float32)
    w = jax.random.normal(ks[3], (F_N, 1), dtype=jnp.float32) * 0.05
    v = jax.random.normal(ks[4], (F_N, K_FM), dtype=jnp.float32) * 0.05
    W1 = jax.random.normal(ks[5], (F_N, H1), dtype=jnp.float32) * (1.0 / np.sqrt(F_N))
    b1 = jnp.zeros((H1,), dtype=jnp.float32)
    W2 = jax.random.normal(ks[6], (H1, H2), dtype=jnp.float32) * (1.0 / np.sqrt(H1))
    b2 = jnp.zeros((H2,), dtype=jnp.float32)
    W3 = jax.random.normal(ks[7], (H2, H3), dtype=jnp.float32) * (1.0 / np.sqrt(H2))
    b3 = jnp.zeros((H3,), dtype=jnp.float32)
    Wo = jax.random.normal(ks[8], (H3, 1), dtype=jnp.float32) * (1.0 / np.sqrt(H3))
    bo = jnp.zeros((1,), dtype=jnp.float32)
    return {"inputs": inputs, "emb_tables": emb_tables, "w0": w0, "w": w, "v": v,
            "W1": W1, "b1": b1, "W2": W2, "b2": b2, "W3": W3, "b3": b3, "Wo": Wo, "bo": bo}


def reference(inputs, emb_tables, w0, w, v, W1, b1, W2, b2, W3, b3, Wo, bo):
    dense_inputs = inputs[:, :DENSE]
    idx = jax.lax.stop_gradient(inputs[:, DENSE:]).astype(jnp.int32)
    # per-field embedding lookup: emb_tables[i][idx[:, i]] for each of SPARSE fields
    embs = jax.vmap(lambda tbl, i: jnp.take(tbl, i, axis=0), in_axes=(0, 1), out_axes=1)(emb_tables, idx)
    sparse_embed = embs.reshape(B, SPARSE * EMB)
    x = jnp.concatenate([dense_inputs, sparse_embed], axis=-1)
    # FM layer
    linear_part = x @ w + w0
    inter_1 = jnp.square(x @ v)
    inter_2 = jnp.square(x) @ jnp.square(v)
    inter_part = 0.5 * jnp.sum(inter_1 - inter_2, axis=-1, keepdims=True)
    fm_output = jax.nn.sigmoid(linear_part + inter_part)
    # Deep layer
    h = jax.nn.relu(x @ W1 + b1)
    h = jax.nn.relu(h @ W2 + b2)
    h = jax.nn.relu(h @ W3 + b3)
    deep_output = h @ Wo + bo
    return jax.nn.sigmoid(0.5 * (fm_output + deep_output))

if __name__ == "__main__":
    import jax
    _d = setup_inputs()
    print(jax.jit(kernel)(*tuple(_d.values())))

</pallas_src>

<mosaic_0001>
#map = affine_map<(d0, d1) -> (0, 0)>
#map1 = affine_map<(d0, d1) -> (0)>
module attributes {stable_mosaic.version = 14 : i64} {
  func.func @_sc_gather(%arg0: i32, %arg1: i32, %arg2: memref<416x100000xf32, #tpu.memory_space<hbm>>, %arg3: memref<26x4096xf32, #tpu.memory_space<hbm>>, %arg4: memref<13312xf32, #tpu.memory_space<hbm>>, %arg5: memref<416x4096xf32, #tpu.memory_space<hbm>>, %arg6: memref<8x4224xf32, #tpu.memory_space<vmem>>, %arg7: memref<8x4224xf32, #tpu.memory_space<vmem>>, %arg8: memref<4096xf32, #tpu.memory_space<vmem>>, %arg9: memref<4096xi32, #tpu.memory_space<vmem>>, %arg10: memref<4096xi32, #tpu.memory_space<vmem>>, %arg11: memref<512xf32, #tpu.memory_space<vmem>>, %arg12: memref<24x352xi32, #tpu.memory_space<vmem>>, %arg13: memref<8x4096xf32, #tpu.memory_space<vmem>>, %arg14: memref<28xi32, #tpu.memory_space<smem>>, %arg15: memref<!tpu.dma_semaphore, #tpu.memory_space<semaphore_mem>>, %arg16: memref<!tpu.dma_semaphore, #tpu.memory_space<semaphore_mem>>) attributes {dimension_semantics = [#tpu.dimension_semantics<core_parallel>, #tpu.dimension_semantics<subcore_parallel>], iteration_bounds = array<i64: 2, 16>, scalar_prefetch = 0 : i64, scratch_operands = 11 : i64, tpu.core_type = #tpu.core_type<sc_vector_subcore>, window_params = [{transform_indices = #map}, {transform_indices = #map}, {transform_indices = #map1}, {transform_indices = #map}]} {
    %mul3A = arith.constant 2 : i32
    %mul3A_0 = arith.muli %arg1, %mul3A : i32
    %add3A = arith.addi %mul3A_0, %arg0 : i32
    %lt3A = arith.constant 26 : i32
    %lt3A_1 = arith.cmpi slt, %add3A, %lt3A : i32
    %convert_element_type3A = arith.extui %lt3A_1 : i1 to i32
    %cond3A = arith.constant 0 : i32
    %cond3A_2 = arith.cmpi ne, %convert_element_type3A, %cond3A : i32
    scf.if %cond3A_2 {
      "tpu.region"() ({
        %run_scoped3A = tpu.sem_alloc : memref<!tpu.dma_semaphore, #tpu.memory_space<semaphore_mem>>
        %dma_start3A_34 = arith.constant 0 : i32
        %dma_start3A_35 = tpu.memref_slice %arg3[%add3A, %dma_start3A_34] : memref<26x4096xf32, #tpu.memory_space<hbm>> -> memref<1x4096xf32, #tpu.memory_space<hbm>>
        %dma_start3A_36 = tpu.memref_squeeze %dma_start3A_35 : memref<1x4096xf32, #tpu.memory_space<hbm>> -> memref<4096xf32, #tpu.memory_space<hbm>>
        %dma_start3A_37 = arith.constant 0 : i32
        %dma_start3A_38 = tpu.memref_slice %arg3[%add3A, %dma_start3A_37] : memref<26x4096xf32, #tpu.memory_space<hbm>> -> memref<1x4096xf32, #tpu.memory_space<hbm>>
        %dma_start3A_39 = tpu.memref_squeeze %dma_start3A_38 : memref<1x4096xf32, #tpu.memory_space<hbm>> -> memref<4096xf32, #tpu.memory_space<hbm>>
        tpu.enqueue_dma source(%dma_start3A_39 : memref<4096xf32, #tpu.memory_space<hbm>>) target(%arg8 : memref<4096xf32, #tpu.memory_space<vmem>>) target_semaphore(%run_scoped3A : memref<!tpu.dma_semaphore, #tpu.memory_space<semaphore_mem>>)
        %dma_wait3A = arith.constant 0 : i32
        %dma_wait3A_40 = tpu.memref_slice %arg3[%add3A, %dma_wait3A] : memref<26x4096xf32, #tpu.memory_space<hbm>> -> memref<1x4096xf32, #tpu.memory_space<hbm>>
        %dma_wait3A_41 = tpu.memref_squeeze %dma_wait3A_40 : memref<1x4096xf32, #tpu.memory_space<hbm>> -> memref<4096xf32, #tpu.memory_space<hbm>>
        %dma_wait3A_42 = arith.constant 0 : i32
        %dma_wait3A_43 = tpu.memref_slice %arg3[%add3A, %dma_wait3A_42] : memref<26x4096xf32, #tpu.memory_space<hbm>> -> memref<1x4096xf32, #tpu.memory_space<hbm>>
        %dma_wait3A_44 = tpu.memref_squeeze %dma_wait3A_43 : memref<1x4096xf32, #tpu.memory_space<hbm>> -> memref<4096xf32, #tpu.memory_space<hbm>>
        tpu.wait_dma2 semaphore(%run_scoped3A : memref<!tpu.dma_semaphore, #tpu.memory_space<semaphore_mem>>) src(%dma_wait3A_44 : memref<4096xf32, #tpu.memory_space<hbm>>) dst(%arg8 : memref<4096xf32, #tpu.memory_space<vmem>>)
        tpu.yield
      }) : () -> ()
      %mul3A_3 = arith.constant 32 : i32
      %mul3A_4 = arith.muli %add3A, %mul3A_3 : i32
      %mul3A_5 = arith.constant 16 : i32
      %mul3A_6 = arith.muli %mul3A_4, %mul3A_5 : i32
      "tpu.region"() ({
        %run_scoped3A = tpu.sem_alloc : memref<!tpu.dma_semaphore, #tpu.memory_space<semaphore_mem>>
        %dma_start3A_34 = tpu.memref_slice %arg4[%mul3A_6] : memref<13312xf32, #tpu.memory_space<hbm>> -> memref<512xf32, #tpu.memory_space<hbm>>
        %dma_start3A_35 = tpu.memref_slice %arg4[%mul3A_6] : memref<13312xf32, #tpu.memory_space<hbm>> -> memref<512xf32, #tpu.memory_space<hbm>>
        tpu.enqueue_dma source(%dma_start3A_35 : memref<512xf32, #tpu.memory_space<hbm>>) target(%arg11 : memref<512xf32, #tpu.memory_space<vmem>>) target_semaphore(%run_scoped3A : memref<!tpu.dma_semaphore, #tpu.memory_space<semaphore_mem>>)
        %dma_wait3A = tpu.memref_slice %arg4[%mul3A_6] : memref<13312xf32, #tpu.memory_space<hbm>> -> memref<512xf32, #tpu.memory_space<hbm>>
        %dma_wait3A_36 = tpu.memref_slice %arg4[%mul3A_6] : memref<13312xf32, #tpu.memory_space<hbm>> -> memref<512xf32, #tpu.memory_space<hbm>>
        tpu.wait_dma2 semaphore(%run_scoped3A : memref<!tpu.dma_semaphore, #tpu.memory_space<semaphore_mem>>) src(%dma_wait3A_36 : memref<512xf32, #tpu.memory_space<hbm>>) dst(%arg11 : memref<512xf32, #tpu.memory_space<vmem>>)
        tpu.yield
      }) : () -> ()
      %iota3A = tpu.iota {dimensions = array<i32: 0>} : vector<16xi32>
      %sub3A = arith.subi %iota3A, %iota3A : vector<16xi32>
      %scan3A = arith.constant 0 : i32
      %scan3A_7 = arith.constant 0 : i32
      %scan3A_8 = arith.constant 256 : i32
      %scan3A_9 = arith.addi %scan3A_7, %scan3A_8 : i32
      %scan3A_10 = arith.constant 1 : i32
      %scan3A_11 = scf.for %scan3A_34 = %scan3A_7 to %scan3A_9 step %scan3A_10 iter_args(%scan3A_35 = %scan3A) -> (i32)  : i32 {
        %mul3A_36 = arith.constant 16 : i32
        %mul3A_37 = arith.muli %scan3A_34, %mul3A_36 : i32
        %get3A = arith.index_cast %mul3A_37 : i32 to index
        %get3A_38 = tpu.vector_load %arg8[%get3A] {strides = array<i32>} : memref<4096xf32, #tpu.memory_space<vmem>>, vector<16xf32>,
        %convert_element_type3A_39 = arith.fptosi %get3A_38 : vector<16xf32> to vector<16xi32>
        %swap3A = arith.index_cast %mul3A_37 : i32 to index
        %swap3A_40 = tpu.vector_load %arg9[%swap3A] {strides = array<i32>} : memref<4096xi32, #tpu.memory_space<vmem>>, vector<16xi32>,
        tpu.vector_store %arg9[%swap3A], %convert_element_type3A_39 {strides = array<i32>} : memref<4096xi32, #tpu.memory_space<vmem>>, vector<16xi32>,
        %shift_right_arithmetic3A = arith.constant 7 : i32
        %shift_right_arithmetic3A_41 = vector.broadcast %shift_right_arithmetic3A : i32 to vector<16xi32>
        %shift_right_arithmetic3A_42 = arith.shrsi %convert_element_type3A_39, %shift_right_arithmetic3A_41 : vector<16xi32>
        %mul3A_43 = arith.constant 1986 : i32
        %mul3A_44 = vector.broadcast %mul3A_43 : i32 to vector<16xi32>
        %mul3A_45 = arith.muli %shift_right_arithmetic3A_42, %mul3A_44 : vector<16xi32>
        %shift_right_arithmetic3A_46 = arith.constant 16 : i32
        %shift_right_arithmetic3A_47 = vector.broadcast %shift_right_arithmetic3A_46 : i32 to vector<16xi32>
        %shift_right_arithmetic3A_48 = arith.shrsi %mul3A_45, %shift_right_arithmetic3A_47 : vector<16xi32>
        %min3A = arith.constant 23 : i32
        %min3A_49 = vector.broadcast %min3A : i32 to vector<16xi32>
        %min3A_50 = arith.minsi %shift_right_arithmetic3A_48, %min3A_49 : vector<16xi32>
        %swap3A_51 = arith.index_cast %mul3A_37 : i32 to index
        %swap3A_52 = tpu.vector_load %arg10[%swap3A_51] {strides = array<i32>} : memref<4096xi32, #tpu.memory_space<vmem>>, vector<16xi32>,
        tpu.vector_store %arg10[%swap3A_51], %min3A_50 {strides = array<i32>} : memref<4096xi32, #tpu.memory_space<vmem>>, vector<16xi32>,
        %scan3A_53 = arith.constant 0 : i32
        scf.yield %scan3A_53 : i32
      }
      %scan3A_12 = arith.constant 256 : i32
      %mul3A_13 = arith.constant 16 : i32
      %mul3A_14 = arith.muli %add3A, %mul3A_13 : i32
      %add3A_15 = arith.constant 0 : i32
      %add3A_16 = arith.addi %mul3A_14, %add3A_15 : i32
      %jit3A = arith.constant false
      %jit3A_17 = arith.constant 95744 : i32
      %jit3A_18 = arith.constant 0 : i32
      %select_n3A = arith.select %jit3A, %jit3A_17, %jit3A_18 : i32
      %dma_start3A = tpu.memref_slice %arg2[%add3A_16, %select_n3A] : memref<416x100000xf32, #tpu.memory_space<hbm>> -> memref<8x4224xf32, #tpu.memory_space<hbm>>
      %dma_start3A_19 = tpu.memref_slice %arg2[%add3A_16, %select_n3A] : memref<416x100000xf32, #tpu.memory_space<hbm>> -> memref<8x4224xf32, #tpu.memory_space<hbm>>
      tpu.enqueue_dma source(%dma_start3A_19 : memref<8x4224xf32, #tpu.memory_space<hbm>>) target(%arg6 : memref<8x4224xf32, #tpu.memory_space<vmem>>) target_semaphore(%arg15 : memref<!tpu.dma_semaphore, #tpu.memory_space<semaphore_mem>>)
      %scan3A_20 = arith.constant 0 : i32
      %scan3A_21 = arith.constant 0 : i32
      %scan3A_22 = arith.constant 24 : i32
      %scan3A_23 = arith.addi %scan3A_21, %scan3A_22 : i32
      %scan3A_24 = arith.constant 1 : i32
      %scan3A_25 = scf.for %scan3A_34 = %scan3A_21 to %scan3A_23 step %scan3A_24 iter_args(%scan3A_35 = %scan3A_20) -> (i32)  : i32 {
        %scan3A_36 = arith.constant 0 : i32
        %scan3A_37 = arith.constant 0 : i32
        %scan3A_38 = arith.constant 256 : i32
        %scan3A_39 = arith.addi %scan3A_37, %scan3A_38 : i32
        %scan3A_40 = arith.constant 1 : i32
        %scan3A_41 = scf.for %scan3A_47 = %scan3A_37 to %scan3A_39 step %scan3A_40 iter_args(%scan3A_48 = %scan3A_36) -> (i32)  : i32 {
          %mul3A_49 = arith.constant 16 : i32
          %mul3A_50 = arith.muli %scan3A_47, %mul3A_49 : i32
          %get3A = arith.index_cast %mul3A_50 : i32 to index
          %get3A_51 = tpu.vector_load %arg10[%get3A] {strides = array<i32>} : memref<4096xi32, #tpu.memory_space<vmem>>, vector<16xi32>,
          %eq3A = vector.broadcast %scan3A_34 : i32 to vector<16xi32>
          %eq3A_52 = arith.cmpi eq, %get3A_51, %eq3A : vector<16xi32>
          %mul3A_53 = arith.constant 16 : i32
          %mul3A_54 = arith.muli %scan3A_47, %mul3A_53 : i32
          %add3A_55 = vector.broadcast %mul3A_54 : i32 to vector<16xi32>
          %add3A_56 = arith.addi %add3A_55, %iota3A : vector<16xi32>
          %swap3A_57 = arith.index_cast %scan3A_34 : i32 to index
          %swap3A_58 = arith.index_cast %scan3A_48 : i32 to index
          %swap3A_59 = tpu.vector_load %arg12[%swap3A_57, %swap3A_58] masked %eq3A_52 {strides = array<i32>} : memref<24x352xi32, #tpu.memory_space<vmem>>, vector<16xi32>, vector<16xi1>
          tpu.vector_store %arg12[%swap3A_57, %swap3A_58], %add3A_56 masked %eq3A_52 {strides = array<i32>} : memref<24x352xi32, #tpu.memory_space<vmem>>, vector<16xi32>, vector<16xi1>
          %all_reduce_population_count3A = tpu.all_reduce %eq3A_52 {dim = 0 : i64, kind = #tpu.reduction_kind<sum>} : vector<16xi1> -> vector<16xi32>
          %slice3A = vector.extract_strided_slice %all_reduce_population_count3A {offsets = [0], sizes = [1], strides = [1]} : vector<16xi32> to vector<1xi32>
          %squeeze3A = vector.extract %slice3A[0] : i32 from vector<1xi32>
          %add3A_60 = arith.addi %scan3A_48, %squeeze3A : i32
          scf.yield %add3A_60 : i32
        }
        %scan3A_42 = arith.constant 256 : i32
        %add3A_43 = arith.constant 4 : i32
        %add3A_44 = arith.addi %add3A_43, %scan3A_34 : i32
        %swap3A = arith.index_cast %add3A_44 : i32 to index
        %swap3A_45 = memref.load %arg14[%swap3A] : memref<28xi32, #tpu.memory_space<smem>>
        memref.store %scan3A_41, %arg14[%swap3A] : memref<28xi32, #tpu.memory_space<smem>>
        %scan3A_46 = arith.constant 0 : i32
        scf.yield %scan3A_46 : i32
      }
      %scan3A_26 = arith.constant 24 : i32
      %scan3A_27 = arith.constant 0 : i32
      %scan3A_28 = arith.constant 0 : i32
      %scan3A_29 = arith.constant 48 : i32
      %scan3A_30 = arith.addi %scan3A_28, %scan3A_29 : i32
      %scan3A_31 = arith.constant 1 : i32
      %scan3A_32 = scf.for %scan3A_34 = %scan3A_28 to %scan3A_30 step %scan3A_31 iter_args(%scan3A_35 = %scan3A_27) -> (i32)  : i32 {
        %jit3A_36 = arith.constant 24 : i32
        %div3A = arith.divsi %scan3A_34, %jit3A_36 : i32
        %sign3A = arith.constant 0 : i32
        %sign3A_37 = arith.cmpi sgt, %scan3A_34, %sign3A : i32
        %sign3A_38 = arith.extui %sign3A_37 : i1 to i32
        %sign3A_39 = arith.constant 0 : i32
        %sign3A_40 = arith.cmpi slt, %scan3A_34, %sign3A_39 : i32
        %sign3A_41 = arith.extui %sign3A_40 : i1 to i32
        %sign3A_42 = arith.subi %sign3A_38, %sign3A_41 : i32
        %sign3A_43 = arith.constant 0 : i32
        %sign3A_44 = arith.cmpi sgt, %jit3A_36, %sign3A_43 : i32
        %sign3A_45 = arith.extui %sign3A_44 : i1 to i32
        %sign3A_46 = arith.constant 0 : i32
        %sign3A_47 = arith.cmpi slt, %jit3A_36, %sign3A_46 : i32
        %sign3A_48 = arith.extui %sign3A_47 : i1 to i32
        %sign3A_49 = arith.subi %sign3A_45, %sign3A_48 : i32
        %ne3A = arith.cmpi ne, %sign3A_42, %sign3A_49 : i32
        %rem3A = arith.remsi %scan3A_34, %jit3A_36 : i32
        %ne3A_50 = arith.constant 0 : i32
        %ne3A_51 = arith.cmpi ne, %rem3A, %ne3A_50 : i32
        %and3A = arith.andi %ne3A, %ne3A_51 : i1
        %sub3A_52 = arith.constant 1 : i32
        %sub3A_53 = arith.subi %div3A, %sub3A_52 : i32
        %select_n3A_54 = arith.select %and3A, %sub3A_53, %div3A : i32
        %jit3A_55 = arith.constant 24 : i32
        %eq3A = arith.constant 0 : i32
        %eq3A_56 = arith.cmpi eq, %jit3A_55, %eq3A : i32
        %jit3A_57 = arith.constant 1 : i32
        %select_n3A_58 = arith.select %eq3A_56, %jit3A_57, %jit3A_55 : i32
        %rem3A_59 = arith.remsi %scan3A_34, %select_n3A_58 : i32
        %ne3A_60 = arith.constant 0 : i32
        %ne3A_61 = arith.cmpi ne, %rem3A_59, %ne3A_60 : i32
        %lt3A_62 = arith.constant 0 : i32
        %lt3A_63 = arith.cmpi slt, %rem3A_59, %lt3A_62 : i32
        %lt3A_64 = arith.constant 0 : i32
        %lt3A_65 = arith.cmpi slt, %select_n3A_58, %lt3A_64 : i32
        %ne3A_66 = arith.xori %lt3A_63, %lt3A_65 : i1
        %and3A_67 = arith.andi %ne3A_66, %ne3A_61 : i1
        %add3A_68 = arith.addi %rem3A_59, %select_n3A_58 : i32
        %select_n3A_69 = arith.select %and3A_67, %add3A_68, %rem3A_59 : i32
        %add3A_70 = arith.constant 1 : i32
        %add3A_71 = arith.addi %scan3A_34, %add3A_70 : i32
        %lt3A_72 = arith.constant 48 : i32
        %lt3A_73 = arith.cmpi slt, %add3A_71, %lt3A_72 : i32
        %convert_element_type3A_74 = arith.extui %lt3A_73 : i1 to i32
        %cond3A_75 = arith.constant 0 : i32
        %cond3A_76 = arith.cmpi ne, %convert_element_type3A_74, %cond3A_75 : i32
        scf.if %cond3A_76 {
          %add3A_109 = arith.constant 1 : i32
          %add3A_110 = arith.addi %scan3A_34, %add3A_109 : i32
          %and3A_111 = arith.constant 1 : i32
          %and3A_112 = arith.andi %add3A_110, %and3A_111 : i32
          %eq3A_113 = arith.constant 0 : i32
          %eq3A_114 = arith.cmpi eq, %and3A_112, %eq3A_113 : i32
          %convert_element_type3A_115 = arith.extui %eq3A_114 : i1 to i32
          %cond3A_116 = arith.constant 0 : i32
          %cond3A_117 = arith.cmpi ne, %convert_element_type3A_115, %cond3A_116 : i32
          scf.if %cond3A_117 {
            %add3A_127 = arith.constant 1 : i32
            %add3A_128 = arith.addi %scan3A_34, %add3A_127 : i32
            %jit3A_129 = arith.constant 24 : i32
            %div3A_130 = arith.divsi %add3A_128, %jit3A_129 : i32
            %sign3A_131 = arith.constant 0 : i32
            %sign3A_132 = arith.cmpi sgt, %add3A_128, %sign3A_131 : i32
            %sign3A_133 = arith.extui %sign3A_132 : i1 to i32
            %sign3A_134 = arith.constant 0 : i32
            %sign3A_135 = arith.cmpi slt, %add3A_128, %sign3A_134 : i32
            %sign3A_136 = arith.extui %sign3A_135 : i1 to i32
            %sign3A_137 = arith.subi %sign3A_133, %sign3A_136 : i32
            %sign3A_138 = arith.constant 0 : i32
            %sign3A_139 = arith.cmpi sgt, %jit3A_129, %sign3A_138 : i32
            %sign3A_140 = arith.extui %sign3A_139 : i1 to i32
            %sign3A_141 = arith.constant 0 : i32
            %sign3A_142 = arith.cmpi slt, %jit3A_129, %sign3A_141 : i32
            %sign3A_143 = arith.extui %sign3A_142 : i1 to i32
            %sign3A_144 = arith.subi %sign3A_140, %sign3A_143 : i32
            %ne3A_145 = arith.cmpi ne, %sign3A_137, %sign3A_144 : i32
            %rem3A_146 = arith.remsi %add3A_128, %jit3A_129 : i32
            %ne3A_147 = arith.constant 0 : i32
            %ne3A_148 = arith.cmpi ne, %rem3A_146, %ne3A_147 : i32
            %and3A_149 = arith.andi %ne3A_145, %ne3A_148 : i1
            %sub3A_150 = arith.constant 1 : i32
            %sub3A_151 = arith.subi %div3A_130, %sub3A_150 : i32
            %select_n3A_152 = arith.select %and3A_149, %sub3A_151, %div3A_130 : i32
            %jit3A_153 = arith.constant 24 : i32
            %eq3A_154 = arith.constant 0 : i32
            %eq3A_155 = arith.cmpi eq, %jit3A_153, %eq3A_154 : i32
            %jit3A_156 = arith.constant 1 : i32
            %select_n3A_157 = arith.select %eq3A_155, %jit3A_156, %jit3A_153 : i32
            %rem3A_158 = arith.remsi %add3A_128, %select_n3A_157 : i32
            %ne3A_159 = arith.constant 0 : i32
            %ne3A_160 = arith.cmpi ne, %rem3A_158, %ne3A_159 : i32
            %lt3A_161 = arith.constant 0 : i32
            %lt3A_162 = arith.cmpi slt, %rem3A_158, %lt3A_161 : i32
            %lt3A_163 = arith.constant 0 : i32
            %lt3A_164 = arith.cmpi slt, %select_n3A_157, %lt3A_163 : i32
            %ne3A_165 = arith.xori %lt3A_162, %lt3A_164 : i1
            %and3A_166 = arith.andi %ne3A_165, %ne3A_160 : i1
            %add3A_167 = arith.addi %rem3A_158, %select_n3A_157 : i32
            %select_n3A_168 = arith.select %and3A_166, %add3A_167, %rem3A_158 : i32
            %mul3A_169 = arith.constant 16 : i32
            %mul3A_170 = arith.muli %add3A, %mul3A_169 : i32
            %mul3A_171 = arith.constant 8 : i32
            %mul3A_172 = arith.muli %select_n3A_152, %mul3A_171 : i32
            %add3A_173 = arith.addi %mul3A_170, %mul3A_172 : i32
            %eq3A_174 = arith.constant 23 : i32
            %eq3A_175 = arith.cmpi eq, %select_n3A_168, %eq3A_174 : i32
            %mul3A_176 = arith.constant 4224 : i32
            %mul3A_177 = arith.muli %select_n3A_168, %mul3A_176 : i32
            %jit3A_178 = arith.constant 95744 : i32
            %select_n3A_179 = arith.select %eq3A_175, %jit3A_178, %mul3A_177 : i32
            %dma_start3A_180 = tpu.memref_slice %arg2[%add3A_173, %select_n3A_179] : memref<416x100000xf32, #tpu.memory_space<hbm>> -> memref<8x4224xf32, #tpu.memory_space<hbm>>
            %dma_start3A_181 = tpu.memref_slice %arg2[%add3A_173, %select_n3A_179] : memref<416x100000xf32, #tpu.memory_space<hbm>> -> memref<8x4224xf32, #tpu.memory_space<hbm>>
            tpu.enqueue_dma source(%dma_start3A_181 : memref<8x4224xf32, #tpu.memory_space<hbm>>) target(%arg6 : memref<8x4224xf32, #tpu.memory_space<vmem>>) target_semaphore(%arg15 : memref<!tpu.dma_semaphore, #tpu.memory_space<semaphore_mem>>)
          } else {
          }
          %add3A_118 = arith.constant 1 : i32
          %add3A_119 = arith.addi %scan3A_34, %add3A_118 : i32
          %and3A_120 = arith.constant 1 : i32
          %and3A_121 = arith.andi %add3A_119, %and3A_120 : i32
          %eq3A_122 = arith.constant 1 : i32
          %eq3A_123 = arith.cmpi eq, %and3A_121, %eq3A_122 : i32
          %convert_element_type3A_124 = arith.extui %eq3A_123 : i1 to i32
          %cond3A_125 = arith.constant 0 : i32
          %cond3A_126 = arith.cmpi ne, %convert_element_type3A_124, %cond3A_125 : i32
          scf.if %cond3A_126 {
            %add3A_127 = arith.constant 1 : i32
            %add3A_128 = arith.addi %scan3A_34, %add3A_127 : i32
            %jit3A_129 = arith.constant 24 : i32
            %div3A_130 = arith.divsi %add3A_128, %jit3A_129 : i32
            %sign3A_131 = arith.constant 0 : i32
            %sign3A_132 = arith.cmpi sgt, %add3A_128, %sign3A_131 : i32
            %sign3A_133 = arith.extui %sign3A_132 : i1 to i32
            %sign3A_134 = arith.constant 0 : i32
            %sign3A_135 = arith.cmpi slt, %add3A_128, %sign3A_134 : i32
            %sign3A_136 = arith.extui %sign3A_135 : i1 to i32
            %sign3A_137 = arith.subi %sign3A_133, %sign3A_136 : i32
            %sign3A_138 = arith.constant 0 : i32
            %sign3A_139 = arith.cmpi sgt, %jit3A_129, %sign3A_138 : i32
            %sign3A_140 = arith.extui %sign3A_139 : i1 to i32
            %sign3A_141 = arith.constant 0 : i32
            %sign3A_142 = arith.cmpi slt, %jit3A_129, %sign3A_141 : i32
            %sign3A_143 = arith.extui %sign3A_142 : i1 to i32
            %sign3A_144 = arith.subi %sign3A_140, %sign3A_143 : i32
            %ne3A_145 = arith.cmpi ne, %sign3A_137, %sign3A_144 : i32
            %rem3A_146 = arith.remsi %add3A_128, %jit3A_129 : i32
            %ne3A_147 = arith.constant 0 : i32
            %ne3A_148 = arith.cmpi ne, %rem3A_146, %ne3A_147 : i32
            %and3A_149 = arith.andi %ne3A_145, %ne3A_148 : i1
            %sub3A_150 = arith.constant 1 : i32
            %sub3A_151 = arith.subi %div3A_130, %sub3A_150 : i32
            %select_n3A_152 = arith.select %and3A_149, %sub3A_151, %div3A_130 : i32
            %jit3A_153 = arith.constant 24 : i32
            %eq3A_154 = arith.constant 0 : i32
            %eq3A_155 = arith.cmpi eq, %jit3A_153, %eq3A_154 : i32
            %jit3A_156 = arith.constant 1 : i32
            %select_n3A_157 = arith.select %eq3A_155, %jit3A_156, %jit3A_153 : i32
            %rem3A_158 = arith.remsi %add3A_128, %select_n3A_157 : i32
            %ne3A_159 = arith.constant 0 : i32
            %ne3A_160 = arith.cmpi ne, %rem3A_158, %ne3A_159 : i32
            %lt3A_161 = arith.constant 0 : i32
            %lt3A_162 = arith.cmpi slt, %rem3A_158, %lt3A_161 : i32
            %lt3A_163 = arith.constant 0 : i32
            %lt3A_164 = arith.cmpi slt, %select_n3A_157, %lt3A_163 : i32
            %ne3A_165 = arith.xori %lt3A_162, %lt3A_164 : i1
            %and3A_166 = arith.andi %ne3A_165, %ne3A_160 : i1
            %add3A_167 = arith.addi %rem3A_158, %select_n3A_157 : i32
            %select_n3A_168 = arith.select %and3A_166, %add3A_167, %rem3A_158 : i32
            %mul3A_169 = arith.constant 16 : i32
            %mul3A_170 = arith.muli %add3A, %mul3A_169 : i32
            %mul3A_171 = arith.constant 8 : i32
            %mul3A_172 = arith.muli %select_n3A_152, %mul3A_171 : i32
            %add3A_173 = arith.addi %mul3A_170, %mul3A_172 : i32
            %eq3A_174 = arith.constant 23 : i32
            %eq3A_175 = arith.cmpi eq, %select_n3A_168, %eq3A_174 : i32
            %mul3A_176 = arith.constant 4224 : i32
            %mul3A_177 = arith.muli %select_n3A_168, %mul3A_176 : i32
            %jit3A_178 = arith.constant 95744 : i32
            %select_n3A_179 = arith.select %eq3A_175, %jit3A_178, %mul3A_177 : i32
            %dma_start3A_180 = tpu.memref_slice %arg2[%add3A_173, %select_n3A_179] : memref<416x100000xf32, #tpu.memory_space<hbm>> -> memref<8x4224xf32, #tpu.memory_space<hbm>>
            %dma_start3A_181 = tpu.memref_slice %arg2[%add3A_173, %select_n3A_179] : memref<416x100000xf32, #tpu.memory_space<hbm>> -> memref<8x4224xf32, #tpu.memory_space<hbm>>
            tpu.enqueue_dma source(%dma_start3A_181 : memref<8x4224xf32, #tpu.memory_space<hbm>>) target(%arg7 : memref<8x4224xf32, #tpu.memory_space<vmem>>) target_semaphore(%arg16 : memref<!tpu.dma_semaphore, #tpu.memory_space<semaphore_mem>>)
          } else {
          }
        } else {
        }
        %add3A_77 = arith.constant 4 : i32
        %add3A_78 = arith.addi %add3A_77, %select_n3A_69 : i32
        %get3A = arith.index_cast %add3A_78 : i32 to index
        %get3A_79 = memref.load %arg14[%get3A] : memref<28xi32, #tpu.memory_space<smem>>
        %eq3A_80 = arith.constant 23 : i32
        %eq3A_81 = arith.cmpi eq, %select_n3A_69, %eq3A_80 : i32
        %mul3A_82 = arith.constant 4224 : i32
        %mul3A_83 = arith.muli %select_n3A_69, %mul3A_82 : i32
        %jit3A_84 = arith.constant 95744 : i32
        %select_n3A_85 = arith.select %eq3A_81, %jit3A_84, %mul3A_83 : i32
        %add3A_86 = arith.constant 15 : i32
        %add3A_87 = arith.addi %get3A_79, %add3A_86 : i32
        %shift_right_arithmetic3A = arith.constant 4 : i32
        %shift_right_arithmetic3A_88 = arith.shrsi %add3A_87, %shift_right_arithmetic3A : i32
        %and3A_89 = arith.constant 1 : i32
        %and3A_90 = arith.andi %scan3A_34, %and3A_89 : i32
        %eq3A_91 = arith.constant 0 : i32
        %eq3A_92 = arith.cmpi eq, %and3A_90, %eq3A_91 : i32
        %convert_element_type3A_93 = arith.extui %eq3A_92 : i1 to i32
        %cond3A_94 = arith.constant 0 : i32
        %cond3A_95 = arith.cmpi ne, %convert_element_type3A_93, %cond3A_94 : i32
        scf.if %cond3A_95 {
          %dma_wait3A = arith.constant 0 : i32
          %dma_wait3A_109 = arith.constant 0 : i32
          %dma_wait3A_110 = tpu.memref_slice %arg2[%dma_wait3A, %dma_wait3A_109] : memref<416x100000xf32, #tpu.memory_space<hbm>> -> memref<8x4224xf32, #tpu.memory_space<hbm>>
          %dma_wait3A_111 = arith.constant 0 : i32
          %dma_wait3A_112 = arith.constant 0 : i32
          %dma_wait3A_113 = tpu.memref_slice %arg2[%dma_wait3A_111, %dma_wait3A_112] : memref<416x100000xf32, #tpu.memory_space<hbm>> -> memref<8x4224xf32, #tpu.memory_space<hbm>>
          tpu.wait_dma2 semaphore(%arg15 : memref<!tpu.dma_semaphore, #tpu.memory_space<semaphore_mem>>) src(%dma_wait3A_113 : memref<8x4224xf32, #tpu.memory_space<hbm>>) dst(%arg6 : memref<8x4224xf32, #tpu.memory_space<vmem>>)
          %while3A = arith.constant 0 : i32
          %while3A_114 = arith.constant 0 : i32
          %while3A_115 = arith.subi %shift_right_arithmetic3A_88, %while3A : i32
          %while3A_116 = arith.addi %while3A, %while3A_115 : i32
          %while3A_117 = arith.constant 1 : i32
          %while3A_118 = arith.divsi %while3A_115, %while3A_117 : i32
          %while3A_119 = arith.muli %while3A_118, %while3A_117 : i32
          %while3A_120 = arith.addi %while3A, %while3A_119 : i32
          %while3A_121 = arith.constant 1 : i32
          %while3A_122 = scf.for %while3A_125 = %while3A to %while3A_120 step %while3A_121 iter_args(%while3A_126 = %while3A_114) -> (i32)  : i32 {
            %mul3A_127 = arith.constant 16 : i32
            %mul3A_128 = arith.muli %while3A_125, %mul3A_127 : i32
            %get3A_129 = arith.index_cast %select_n3A_69 : i32 to index
            %get3A_130 = arith.index_cast %mul3A_128 : i32 to index
            %get3A_131 = tpu.vector_load %arg12[%get3A_129, %get3A_130] {strides = array<i32>} : memref<24x352xi32, #tpu.memory_space<vmem>>, vector<16xi32>,
            %and3A_132 = arith.constant 4095 : i32
            %and3A_133 = vector.broadcast %and3A_132 : i32 to vector<16xi32>
            %and3A_134 = arith.andi %get3A_131, %and3A_133 : vector<16xi32>
            %mul3A_135 = arith.constant 16 : i32
            %mul3A_136 = arith.muli %while3A_125, %mul3A_135 : i32
            %add3A_137 = vector.broadcast %mul3A_136 : i32 to vector<16xi32>
            %add3A_138 = arith.addi %add3A_137, %iota3A : vector<16xi32>
            %lt3A_139 = vector.broadcast %get3A_79 : i32 to vector<16xi32>
            %lt3A_140 = arith.cmpi slt, %add3A_138, %lt3A_139 : vector<16xi32>
            %gather3A = tpu.vector_load_idx %arg9[%and3A_134] : memref<4096xi32, #tpu.memory_space<vmem>>[vector<16xi32>], vector<16xi32>,
            %sub3A_141 = vector.broadcast %select_n3A_85 : i32 to vector<16xi32>
            %sub3A_142 = arith.subi %gather3A, %sub3A_141 : vector<16xi32>
            %jit3A_143 = arith.constant 0 : i32
            %jit3A_144 = arith.constant 4223 : i32
            %max3A = vector.broadcast %jit3A_143 : i32 to vector<16xi32>
            %max3A_145 = arith.maxsi %max3A, %sub3A_142 : vector<16xi32>
            %min3A = vector.broadcast %jit3A_144 : i32 to vector<16xi32>
            %min3A_146 = arith.minsi %min3A, %max3A_145 : vector<16xi32>
            %add3A_147 = arith.constant 0 : i32
            %add3A_148 = vector.broadcast %add3A_147 : i32 to vector<16xi32>
            %add3A_149 = arith.addi %sub3A, %add3A_148 : vector<16xi32>
            %gather3A_150 = tpu.vector_load_idx %arg6[%add3A_149, %min3A_146] : memref<8x4224xf32, #tpu.memory_space<vmem>>[vector<16xi32>, vector<16xi32>], vector<16xf32>,
            %add3A_151 = arith.constant 0 : i32
            %add3A_152 = vector.broadcast %add3A_151 : i32 to vector<16xi32>
            %add3A_153 = arith.addi %sub3A, %add3A_152 : vector<16xi32>
            tpu.vector_store_idx %arg13[%add3A_153, %and3A_134], %gather3A_150 masked %lt3A_140 : memref<8x4096xf32, #tpu.memory_space<vmem>>[vector<16xi32>, vector<16xi32>], vector<16xf32>, vector<16xi1>
            %add3A_154 = arith.constant 1 : i32
            %add3A_155 = vector.broadcast %add3A_154 : i32 to vector<16xi32>
            %add3A_156 = arith.addi %sub3A, %add3A_155 : vector<16xi32>
            %gather3A_157 = tpu.vector_load_idx %arg6[%add3A_156, %min3A_146] : memref<8x4224xf32, #tpu.memory_space<vmem>>[vector<16xi32>, vector<16xi32>], vector<16xf32>,
            %add3A_158 = arith.constant 1 : i32
            %add3A_159 = vector.broadcast %add3A_158 : i32 to vector<16xi32>
            %add3A_160 = arith.addi %sub3A, %add3A_159 : vector<16xi32>
            tpu.vector_store_idx %arg13[%add3A_160, %and3A_134], %gather3A_157 masked %lt3A_140 : memref<8x4096xf32, #tpu.memory_space<vmem>>[vector<16xi32>, vector<16xi32>], vector<16xf32>, vector<16xi1>
            %add3A_161 = arith.constant 2 : i32
            %add3A_162 = vector.broadcast %add3A_161 : i32 to vector<16xi32>
            %add3A_163 = arith.addi %sub3A, %add3A_162 : vector<16xi32>
            %gather3A_164 = tpu.vector_load_idx %arg6[%add3A_163, %min3A_146] : memref<8x4224xf32, #tpu.memory_space<vmem>>[vector<16xi32>, vector<16xi32>], vector<16xf32>,
            %add3A_165 = arith.constant 2 : i32
            %add3A_166 = vector.broadcast %add3A_165 : i32 to vector<16xi32>
            %add3A_167 = arith.addi %sub3A, %add3A_166 : vector<16xi32>
            tpu.vector_store_idx %arg13[%add3A_167, %and3A_134], %gather3A_164 masked %lt3A_140 : memref<8x4096xf32, #tpu.memory_space<vmem>>[vector<16xi32>, vector<16xi32>], vector<16xf32>, vector<16xi1>
            %add3A_168 = arith.constant 3 : i32
            %add3A_169 = vector.broadcast %add3A_168 : i32 to vector<16xi32>
            %add3A_170 = arith.addi %sub3A, %add3A_169 : vector<16xi32>
            %gather3A_171 = tpu.vector_load_idx %arg6[%add3A_170, %min3A_146] : memref<8x4224xf32, #tpu.memory_space<vmem>>[vector<16xi32>, vector<16xi32>], vector<16xf32>,
            %add3A_172 = arith.constant 3 : i32
            %add3A_173 = vector.broadcast %add3A_172 : i32 to vector<16xi32>
            %add3A_174 = arith.addi %sub3A, %add3A_173 : vector<16xi32>
            tpu.vector_store_idx %arg13[%add3A_174, %and3A_134], %gather3A_171 masked %lt3A_140 : memref<8x4096xf32, #tpu.memory_space<vmem>>[vector<16xi32>, vector<16xi32>], vector<16xf32>, vector<16xi1>
            %add3A_175 = arith.constant 4 : i32
            %add3A_176 = vector.broadcast %add3A_175 : i32 to vector<16xi32>
            %add3A_177 = arith.addi %sub3A, %add3A_176 : vector<16xi32>
            %gather3A_178 = tpu.vector_load_idx %arg6[%add3A_177, %min3A_146] : memref<8x4224xf32, #tpu.memory_space<vmem>>[vector<16xi32>, vector<16xi32>], vector<16xf32>,
            %add3A_179 = arith.constant 4 : i32
            %add3A_180 = vector.broadcast %add3A_179 : i32 to vector<16xi32>
            %add3A_181 = arith.addi %sub3A, %add3A_180 : vector<16xi32>
            tpu.vector_store_idx %arg13[%add3A_181, %and3A_134], %gather3A_178 masked %lt3A_140 : memref<8x4096xf32, #tpu.memory_space<vmem>>[vector<16xi32>, vector<16xi32>], vector<16xf32>, vector<16xi1>
            %add3A_182 = arith.constant 5 : i32
            %add3A_183 = vector.broadcast %add3A_182 : i32 to vector<16xi32>
            %add3A_184 = arith.addi %sub3A, %add3A_183 : vector<16xi32>
            %gather3A_185 = tpu.vector_load_idx %arg6[%add3A_184, %min3A_146] : memref<8x4224xf32, #tpu.memory_space<vmem>>[vector<16xi32>, vector<16xi32>], vector<16xf32>,
            %add3A_186 = arith.constant 5 : i32
            %add3A_187 = vector.broadcast %add3A_186 : i32 to vector<16xi32>
            %add3A_188 = arith.addi %sub3A, %add3A_187 : vector<16xi32>
            tpu.vector_store_idx %arg13[%add3A_188, %and3A_134], %gather3A_185 masked %lt3A_140 : memref<8x4096xf32, #tpu.memory_space<vmem>>[vector<16xi32>, vector<16xi32>], vector<16xf32>, vector<16xi1>
            %add3A_189 = arith.constant 6 : i32
            %add3A_190 = vector.broadcast %add3A_189 : i32 to vector<16xi32>
            %add3A_191 = arith.addi %sub3A, %add3A_190 : vector<16xi32>
            %gather3A_192 = tpu.vector_load_idx %arg6[%add3A_191, %min3A_146] : memref<8x4224xf32, #tpu.memory_space<vmem>>[vector<16xi32>, vector<16xi32>], vector<16xf32>,
            %add3A_193 = arith.constant 6 : i32
            %add3A_194 = vector.broadcast %add3A_193 : i32 to vector<16xi32>
            %add3A_195 = arith.addi %sub3A, %add3A_194 : vector<16xi32>
            tpu.vector_store_idx %arg13[%add3A_195, %and3A_134], %gather3A_192 masked %lt3A_140 : memref<8x4096xf32, #tpu.memory_space<vmem>>[vector<16xi32>, vector<16xi32>], vector<16xf32>, vector<16xi1>
            %add3A_196 = arith.constant 7 : i32
            %add3A_197 = vector.broadcast %add3A_196 : i32 to vector<16xi32>
            %add3A_198 = arith.addi %sub3A, %add3A_197 : vector<16xi32>
            %gather3A_199 = tpu.vector_load_idx %arg6[%add3A_198, %min3A_146] : memref<8x4224xf32, #tpu.memory_space<vmem>>[vector<16xi32>, vector<16xi32>], vector<16xf32>,
            %add3A_200 = arith.constant 7 : i32
            %add3A_201 = vector.broadcast %add3A_200 : i32 to vector<16xi32>
            %add3A_202 = arith.addi %sub3A, %add3A_201 : vector<16xi32>
            tpu.vector_store_idx %arg13[%add3A_202, %and3A_134], %gather3A_199 masked %lt3A_140 : memref<8x4096xf32, #tpu.memory_space<vmem>>[vector<16xi32>, vector<16xi32>], vector<16xf32>, vector<16xi1>
            %while3A_203 = arith.constant 0 : i32
            scf.yield %while3A_203 : i32
          }
          %while3A_123 = arith.constant 1 : i32
          %while3A_124 = scf.for %while3A_125 = %while3A_120 to %while3A_116 step %while3A_123 iter_args(%while3A_126 = %while3A_122) -> (i32)  : i32 {
            %mul3A_127 = arith.constant 16 : i32
            %mul3A_128 = arith.muli %while3A_125, %mul3A_127 : i32
            %get3A_129 = arith.index_cast %select_n3A_69 : i32 to index
            %get3A_130 = arith.index_cast %mul3A_128 : i32 to index
            %get3A_131 = tpu.vector_load %arg12[%get3A_129, %get3A_130] {strides = array<i32>} : memref<24x352xi32, #tpu.memory_space<vmem>>, vector<16xi32>,
            %and3A_132 = arith.constant 4095 : i32
            %and3A_133 = vector.broadcast %and3A_132 : i32 to vector<16xi32>
            %and3A_134 = arith.andi %get3A_131, %and3A_133 : vector<16xi32>
            %mul3A_135 = arith.constant 16 : i32
            %mul3A_136 = arith.muli %while3A_125, %mul3A_135 : i32
            %add3A_137 = vector.broadcast %mul3A_136 : i32 to vector<16xi32>
            %add3A_138 = arith.addi %add3A_137, %iota3A : vector<16xi32>
            %lt3A_139 = vector.broadcast %get3A_79 : i32 to vector<16xi32>
            %lt3A_140 = arith.cmpi slt, %add3A_138, %lt3A_139 : vector<16xi32>
            %gather3A = tpu.vector_load_idx %arg9[%and3A_134] : memref<4096xi32, #tpu.memory_space<vmem>>[vector<16xi32>], vector<16xi32>,
            %sub3A_141 = vector.broadcast %select_n3A_85 : i32 to vector<16xi32>
            %sub3A_142 = arith.subi %gather3A, %sub3A_141 : vector<16xi32>
            %jit3A_143 = arith.constant 0 : i32
            %jit3A_144 = arith.constant 4223 : i32
            %max3A = vector.broadcast %jit3A_143 : i32 to vector<16xi32>
            %max3A_145 = arith.maxsi %max3A, %sub3A_142 : vector<16xi32>
            %min3A = vector.broadcast %jit3A_144 : i32 to vector<16xi32>
            %min3A_146 = arith.minsi %min3A, %max3A_145 : vector<16xi32>
            %add3A_147 = arith.constant 0 : i32
            %add3A_148 = vector.broadcast %add3A_147 : i32 to vector<16xi32>
            %add3A_149 = arith.addi %sub3A, %add3A_148 : vector<16xi32>
            %gather3A_150 = tpu.vector_load_idx %arg6[%add3A_149, %min3A_146] : memref<8x4224xf32, #tpu.memory_space<vmem>>[vector<16xi32>, vector<16xi32>], vector<16xf32>,
            %add3A_151 = arith.constant 0 : i32
            %add3A_152 = vector.broadcast %add3A_151 : i32 to vector<16xi32>
            %add3A_153 = arith.addi %sub3A, %add3A_152 : vector<16xi32>
            tpu.vector_store_idx %arg13[%add3A_153, %and3A_134], %gather3A_150 masked %lt3A_140 : memref<8x4096xf32, #tpu.memory_space<vmem>>[vector<16xi32>, vector<16xi32>], vector<16xf32>, vector<16xi1>
            %add3A_154 = arith.constant 1 : i32
            %add3A_155 = vector.broadcast %add3A_154 : i32 to vector<16xi32>
            %add3A_156 = arith.addi %sub3A, %add3A_155 : vector<16xi32>
            %gather3A_157 = tpu.vector_load_idx %arg6[%add3A_156, %min3A_146] : memref<8x4224xf32, #tpu.memory_space<vmem>>[vector<16xi32>, vector<16xi32>], vector<16xf32>,
            %add3A_158 = arith.constant 1 : i32
            %add3A_159 = vector.broadcast %add3A_158 : i32 to vector<16xi32>
            %add3A_160 = arith.addi %sub3A, %add3A_159 : vector<16xi32>
            tpu.vector_store_idx %arg13[%add3A_160, %and3A_134], %gather3A_157 masked %lt3A_140 : memref<8x4096xf32, #tpu.memory_space<vmem>>[vector<16xi32>, vector<16xi32>], vector<16xf32>, vector<16xi1>
            %add3A_161 = arith.constant 2 : i32
            %add3A_162 = vector.broadcast %add3A_161 : i32 to vector<16xi32>
            %add3A_163 = arith.addi %sub3A, %add3A_162 : vector<16xi32>
            %gather3A_164 = tpu.vector_load_idx %arg6[%add3A_163, %min3A_146] : memref<8x4224xf32, #tpu.memory_space<vmem>>[vector<16xi32>, vector<16xi32>], vector<16xf32>,
            %add3A_165 = arith.constant 2 : i32
            %add3A_166 = vector.broadcast %add3A_165 : i32 to vector<16xi32>
            %add3A_167 = arith.addi %sub3A, %add3A_166 : vector<16xi32>
            tpu.vector_store_idx %arg13[%add3A_167, %and3A_134], %gather3A_164 masked %lt3A_140 : memref<8x4096xf32, #tpu.memory_space<vmem>>[vector<16xi32>, vector<16xi32>], vector<16xf32>, vector<16xi1>
            %add3A_168 = arith.constant 3 : i32
            %add3A_169 = vector.broadcast %add3A_168 : i32 to vector<16xi32>
            %add3A_170 = arith.addi %sub3A, %add3A_169 : vector<16xi32>
            %gather3A_171 = tpu.vector_load_idx %arg6[%add3A_170, %min3A_146] : memref<8x4224xf32, #tpu.memory_space<vmem>>[vector<16xi32>, vector<16xi32>], vector<16xf32>,
            %add3A_172 = arith.constant 3 : i32
            %add3A_173 = vector.broadcast %add3A_172 : i32 to vector<16xi32>
            %add3A_174 = arith.addi %sub3A, %add3A_173 : vector<16xi32>
            tpu.vector_store_idx %arg13[%add3A_174, %and3A_134], %gather3A_171 masked %lt3A_140 : memref<8x4096xf32, #tpu.memory_space<vmem>>[vector<16xi32>, vector<16xi32>], vector<16xf32>, vector<16xi1>
            %add3A_175 = arith.constant 4 : i32
            %add3A_176 = vector.broadcast %add3A_175 : i32 to vector<16xi32>
            %add3A_177 = arith.addi %sub3A, %add3A_176 : vector<16xi32>
            %gather3A_178 = tpu.vector_load_idx %arg6[%add3A_177, %min3A_146] : memref<8x4224xf32, #tpu.memory_space<vmem>>[vector<16xi32>, vector<16xi32>], vector<16xf32>,
            %add3A_179 = arith.constant 4 : i32
            %add3A_180 = vector.broadcast %add3A_179 : i32 to vector<16xi32>
            %add3A_181 = arith.addi %sub3A, %add3A_180 : vector<16xi32>
            tpu.vector_store_idx %arg13[%add3A_181, %and3A_134], %gather3A_178 masked %lt3A_140 : memref<8x4096xf32, #tpu.memory_space<vmem>>[vector<16xi32>, vector<16xi32>], vector<16xf32>, vector<16xi1>
            %add3A_182 = arith.constant 5 : i32
            %add3A_183 = vector.broadcast %add3A_182 : i32 to vector<16xi32>
            %add3A_184 = arith.addi %sub3A, %add3A_183 : vector<16xi32>
            %gather3A_185 = tpu.vector_load_idx %arg6[%add3A_184, %min3A_146] : memref<8x4224xf32, #tpu.memory_space<vmem>>[vector<16xi32>, vector<16xi32>], vector<16xf32>,
            %add3A_186 = arith.constant 5 : i32
            %add3A_187 = vector.broadcast %add3A_186 : i32 to vector<16xi32>
            %add3A_188 = arith.addi %sub3A, %add3A_187 : vector<16xi32>
            tpu.vector_store_idx %arg13[%add3A_188, %and3A_134], %gather3A_185 masked %lt3A_140 : memref<8x4096xf32, #tpu.memory_space<vmem>>[vector<16xi32>, vector<16xi32>], vector<16xf32>, vector<16xi1>
            %add3A_189 = arith.constant 6 : i32
            %add3A_190 = vector.broadcast %add3A_189 : i32 to vector<16xi32>
            %add3A_191 = arith.addi %sub3A, %add3A_190 : vector<16xi32>
            %gather3A_192 = tpu.vector_load_idx %arg6[%add3A_191, %min3A_146] : memref<8x4224xf32, #tpu.memory_space<vmem>>[vector<16xi32>, vector<16xi32>], vector<16xf32>,
            %add3A_193 = arith.constant 6 : i32
            %add3A_194 = vector.broadcast %add3A_193 : i32 to vector<16xi32>
            %add3A_195 = arith.addi %sub3A, %add3A_194 : vector<16xi32>
            tpu.vector_store_idx %arg13[%add3A_195, %and3A_134], %gather3A_192 masked %lt3A_140 : memref<8x4096xf32, #tpu.memory_space<vmem>>[vector<16xi32>, vector<16xi32>], vector<16xf32>, vector<16xi1>
            %add3A_196 = arith.constant 7 : i32
            %add3A_197 = vector.broadcast %add3A_196 : i32 to vector<16xi32>
            %add3A_198 = arith.addi %sub3A, %add3A_197 : vector<16xi32>
            %gather3A_199 = tpu.vector_load_idx %arg6[%add3A_198, %min3A_146] : memref<8x4224xf32, #tpu.memory_space<vmem>>[vector<16xi32>, vector<16xi32>], vector<16xf32>,
            %add3A_200 = arith.constant 7 : i32
            %add3A_201 = vector.broadcast %add3A_200 : i32 to vector<16xi32>
            %add3A_202 = arith.addi %sub3A, %add3A_201 : vector<16xi32>
            tpu.vector_store_idx %arg13[%add3A_202, %and3A_134], %gather3A_199 masked %lt3A_140 : memref<8x4096xf32, #tpu.memory_space<vmem>>[vector<16xi32>, vector<16xi32>], vector<16xf32>, vector<16xi1>
            %while3A_203 = arith.constant 0 : i32
            scf.yield %while3A_203 : i32
          }
        } else {
        }
        %and3A_96 = arith.constant 1 : i32
        %and3A_97 = arith.andi %scan3A_34, %and3A_96 : i32
        %eq3A_98 = arith.constant 1 : i32
        %eq3A_99 = arith.cmpi eq, %and3A_97, %eq3A_98 : i32
        %convert_element_type3A_100 = arith.extui %eq3A_99 : i1 to i32
        %cond3A_101 = arith.constant 0 : i32
        %cond3A_102 = arith.cmpi ne, %convert_element_type3A_100, %cond3A_101 : i32
        scf.if %cond3A_102 {
          %dma_wait3A = arith.constant 0 : i32
          %dma_wait3A_109 = arith.constant 0 : i32
          %dma_wait3A_110 = tpu.memref_slice %arg2[%dma_wait3A, %dma_wait3A_109] : memref<416x100000xf32, #tpu.memory_space<hbm>> -> memref<8x4224xf32, #tpu.memory_space<hbm>>
          %dma_wait3A_111 = arith.constant 0 : i32
          %dma_wait3A_112 = arith.constant 0 : i32
          %dma_wait3A_113 = tpu.memref_slice %arg2[%dma_wait3A_111, %dma_wait3A_112] : memref<416x100000xf32, #tpu.memory_space<hbm>> -> memref<8x4224xf32, #tpu.memory_space<hbm>>
          tpu.wait_dma2 semaphore(%arg16 : memref<!tpu.dma_semaphore, #tpu.memory_space<semaphore_mem>>) src(%dma_wait3A_113 : memref<8x4224xf32, #tpu.memory_space<hbm>>) dst(%arg7 : memref<8x4224xf32, #tpu.memory_space<vmem>>)
          %while3A = arith.constant 0 : i32
          %while3A_114 = arith.constant 0 : i32
          %while3A_115 = arith.subi %shift_right_arithmetic3A_88, %while3A : i32
          %while3A_116 = arith.addi %while3A, %while3A_115 : i32
          %while3A_117 = arith.constant 1 : i32
          %while3A_118 = arith.divsi %while3A_115, %while3A_117 : i32
          %while3A_119 = arith.muli %while3A_118, %while3A_117 : i32
          %while3A_120 = arith.addi %while3A, %while3A_119 : i32
          %while3A_121 = arith.constant 1 : i32
          %while3A_122 = scf.for %while3A_125 = %while3A to %while3A_120 step %while3A_121 iter_args(%while3A_126 = %while3A_114) -> (i32)  : i32 {
            %mul3A_127 = arith.constant 16 : i32
            %mul3A_128 = arith.muli %while3A_125, %mul3A_127 : i32
            %get3A_129 = arith.index_cast %select_n3A_69 : i32 to index
            %get3A_130 = arith.index_cast %mul3A_128 : i32 to index
            %get3A_131 = tpu.vector_load %arg12[%get3A_129, %get3A_130] {strides = array<i32>} : memref<24x352xi32, #tpu.memory_space<vmem>>, vector<16xi32>,
            %and3A_132 = arith.constant 4095 : i32
            %and3A_133 = vector.broadcast %and3A_132 : i32 to vector<16xi32>
            %and3A_134 = arith.andi %get3A_131, %and3A_133 : vector<16xi32>
            %mul3A_135 = arith.constant 16 : i32
            %mul3A_136 = arith.muli %while3A_125, %mul3A_135 : i32
            %add3A_137 = vector.broadcast %mul3A_136 : i32 to vector<16xi32>
            %add3A_138 = arith.addi %add3A_137, %iota3A : vector<16xi32>
            %lt3A_139 = vector.broadcast %get3A_79 : i32 to vector<16xi32>
            %lt3A_140 = arith.cmpi slt, %add3A_138, %lt3A_139 : vector<16xi32>
            %gather3A = tpu.vector_load_idx %arg9[%and3A_134] : memref<4096xi32, #tpu.memory_space<vmem>>[vector<16xi32>], vector<16xi32>,
            %sub3A_141 = vector.broadcast %select_n3A_85 : i32 to vector<16xi32>
            %sub3A_142 = arith.subi %gather3A, %sub3A_141 : vector<16xi32>
            %jit3A_143 = arith.constant 0 : i32
            %jit3A_144 = arith.constant 4223 : i32
            %max3A = vector.broadcast %jit3A_143 : i32 to vector<16xi32>
            %max3A_145 = arith.maxsi %max3A, %sub3A_142 : vector<16xi32>
            %min3A = vector.broadcast %jit3A_144 : i32 to vector<16xi32>
            %min3A_146 = arith.minsi %min3A, %max3A_145 : vector<16xi32>
            %add3A_147 = arith.constant 0 : i32
            %add3A_148 = vector.broadcast %add3A_147 : i32 to vector<16xi32>
            %add3A_149 = arith.addi %sub3A, %add3A_148 : vector<16xi32>
            %gather3A_150 = tpu.vector_load_idx %arg7[%add3A_149, %min3A_146] : memref<8x4224xf32, #tpu.memory_space<vmem>>[vector<16xi32>, vector<16xi32>], vector<16xf32>,
            %add3A_151 = arith.constant 0 : i32
            %add3A_152 = vector.broadcast %add3A_151 : i32 to vector<16xi32>
            %add3A_153 = arith.addi %sub3A, %add3A_152 : vector<16xi32>
            tpu.vector_store_idx %arg13[%add3A_153, %and3A_134], %gather3A_150 masked %lt3A_140 : memref<8x4096xf32, #tpu.memory_space<vmem>>[vector<16xi32>, vector<16xi32>], vector<16xf32>, vector<16xi1>
            %add3A_154 = arith.constant 1 : i32
            %add3A_155 = vector.broadcast %add3A_154 : i32 to vector<16xi32>
            %add3A_156 = arith.addi %sub3A, %add3A_155 : vector<16xi32>
            %gather3A_157 = tpu.vector_load_idx %arg7[%add3A_156, %min3A_146] : memref<8x4224xf32, #tpu.memory_space<vmem>>[vector<16xi32>, vector<16xi32>], vector<16xf32>,
            %add3A_158 = arith.constant 1 : i32
            %add3A_159 = vector.broadcast %add3A_158 : i32 to vector<16xi32>
            %add3A_160 = arith.addi %sub3A, %add3A_159 : vector<16xi32>
            tpu.vector_store_idx %arg13[%add3A_160, %and3A_134], %gather3A_157 masked %lt3A_140 : memref<8x4096xf32, #tpu.memory_space<vmem>>[vector<16xi32>, vector<16xi32>], vector<16xf32>, vector<16xi1>
            %add3A_161 = arith.constant 2 : i32
            %add3A_162 = vector.broadcast %add3A_161 : i32 to vector<16xi32>
            %add3A_163 = arith.addi %sub3A, %add3A_162 : vector<16xi32>
            %gather3A_164 = tpu.vector_load_idx %arg7[%add3A_163, %min3A_146] : memref<8x4224xf32, #tpu.memory_space<vmem>>[vector<16xi32>, vector<16xi32>], vector<16xf32>,
            %add3A_165 = arith.constant 2 : i32
            %add3A_166 = vector.broadcast %add3A_165 : i32 to vector<16xi32>
            %add3A_167 = arith.addi %sub3A, %add3A_166 : vector<16xi32>
            tpu.vector_store_idx %arg13[%add3A_167, %and3A_134], %gather3A_164 masked %lt3A_140 : memref<8x4096xf32, #tpu.memory_space<vmem>>[vector<16xi32>, vector<16xi32>], vector<16xf32>, vector<16xi1>
            %add3A_168 = arith.constant 3 : i32
            %add3A_169 = vector.broadcast %add3A_168 : i32 to vector<16xi32>
            %add3A_170 = arith.addi %sub3A, %add3A_169 : vector<16xi32>
            %gather3A_171 = tpu.vector_load_idx %arg7[%add3A_170, %min3A_146] : memref<8x4224xf32, #tpu.memory_space<vmem>>[vector<16xi32>, vector<16xi32>], vector<16xf32>,
            %add3A_172 = arith.constant 3 : i32
            %add3A_173 = vector.broadcast %add3A_172 : i32 to vector<16xi32>
            %add3A_174 = arith.addi %sub3A, %add3A_173 : vector<16xi32>
            tpu.vector_store_idx %arg13[%add3A_174, %and3A_134], %gather3A_171 masked %lt3A_140 : memref<8x4096xf32, #tpu.memory_space<vmem>>[vector<16xi32>, vector<16xi32>], vector<16xf32>, vector<16xi1>
            %add3A_175 = arith.constant 4 : i32
            %add3A_176 = vector.broadcast %add3A_175 : i32 to vector<16xi32>
            %add3A_177 = arith.addi %sub3A, %add3A_176 : vector<16xi32>
            %gather3A_178 = tpu.vector_load_idx %arg7[%add3A_177, %min3A_146] : memref<8x4224xf32, #tpu.memory_space<vmem>>[vector<16xi32>, vector<16xi32>], vector<16xf32>,
            %add3A_179 = arith.constant 4 : i32
            %add3A_180 = vector.broadcast %add3A_179 : i32 to vector<16xi32>
            %add3A_181 = arith.addi %sub3A, %add3A_180 : vector<16xi32>
            tpu.vector_store_idx %arg13[%add3A_181, %and3A_134], %gather3A_178 masked %lt3A_140 : memref<8x4096xf32, #tpu.memory_space<vmem>>[vector<16xi32>, vector<16xi32>], vector<16xf32>, vector<16xi1>
            %add3A_182 = arith.constant 5 : i32
            %add3A_183 = vector.broadcast %add3A_182 : i32 to vector<16xi32>
            %add3A_184 = arith.addi %sub3A, %add3A_183 : vector<16xi32>
            %gather3A_185 = tpu.vector_load_idx %arg7[%add3A_184, %min3A_146] : memref<8x4224xf32, #tpu.memory_space<vmem>>[vector<16xi32>, vector<16xi32>], vector<16xf32>,
            %add3A_186 = arith.constant 5 : i32
            %add3A_187 = vector.broadcast %add3A_186 : i32 to vector<16xi32>
            %add3A_188 = arith.addi %sub3A, %add3A_187 : vector<16xi32>
            tpu.vector_store_idx %arg13[%add3A_188, %and3A_134], %gather3A_185 masked %lt3A_140 : memref<8x4096xf32, #tpu.memory_space<vmem>>[vector<16xi32>, vector<16xi32>], vector<16xf32>, vector<16xi1>
            %add3A_189 = arith.constant 6 : i32
            %add3A_190 = vector.broadcast %add3A_189 : i32 to vector<16xi32>
            %add3A_191 = arith.addi %sub3A, %add3A_190 : vector<16xi32>
            %gather3A_192 = tpu.vector_load_idx %arg7[%add3A_191, %min3A_146] : memref<8x4224xf32, #tpu.memory_space<vmem>>[vector<16xi32>, vector<16xi32>], vector<16xf32>,
            %add3A_193 = arith.constant 6 : i32
            %add3A_194 = vector.broadcast %add3A_193 : i32 to vector<16xi32>
            %add3A_195 = arith.addi %sub3A, %add3A_194 : vector<16xi32>
            tpu.vector_store_idx %arg13[%add3A_195, %and3A_134], %gather3A_192 masked %lt3A_140 : memref<8x4096xf32, #tpu.memory_space<vmem>>[vector<16xi32>, vector<16xi32>], vector<16xf32>, vector<16xi1>
            %add3A_196 = arith.constant 7 : i32
            %add3A_197 = vector.broadcast %add3A_196 : i32 to vector<16xi32>
            %add3A_198 = arith.addi %sub3A, %add3A_197 : vector<16xi32>
            %gather3A_199 = tpu.vector_load_idx %arg7[%add3A_198, %min3A_146] : memref<8x4224xf32, #tpu.memory_space<vmem>>[vector<16xi32>, vector<16xi32>], vector<16xf32>,
            %add3A_200 = arith.constant 7 : i32
            %add3A_201 = vector.broadcast %add3A_200 : i32 to vector<16xi32>
            %add3A_202 = arith.addi %sub3A, %add3A_201 : vector<16xi32>
            tpu.vector_store_idx %arg13[%add3A_202, %and3A_134], %gather3A_199 masked %lt3A_140 : memref<8x4096xf32, #tpu.memory_space<vmem>>[vector<16xi32>, vector<16xi32>], vector<16xf32>, vector<16xi1>
            %while3A_203 = arith.constant 0 : i32
            scf.yield %while3A_203 : i32
          }
          %while3A_123 = arith.constant 1 : i32
          %while3A_124 = scf.for %while3A_125 = %while3A_120 to %while3A_116 step %while3A_123 iter_args(%while3A_126 = %while3A_122) -> (i32)  : i32 {
            %mul3A_127 = arith.constant 16 : i32
            %mul3A_128 = arith.muli %while3A_125, %mul3A_127 : i32
            %get3A_129 = arith.index_cast %select_n3A_69 : i32 to index
            %get3A_130 = arith.index_cast %mul3A_128 : i32 to index
            %get3A_131 = tpu.vector_load %arg12[%get3A_129, %get3A_130] {strides = array<i32>} : memref<24x352xi32, #tpu.memory_space<vmem>>, vector<16xi32>,
            %and3A_132 = arith.constant 4095 : i32
            %and3A_133 = vector.broadcast %and3A_132 : i32 to vector<16xi32>
            %and3A_134 = arith.andi %get3A_131, %and3A_133 : vector<16xi32>
            %mul3A_135 = arith.constant 16 : i32
            %mul3A_136 = arith.muli %while3A_125, %mul3A_135 : i32
            %add3A_137 = vector.broadcast %mul3A_136 : i32 to vector<16xi32>
            %add3A_138 = arith.addi %add3A_137, %iota3A : vector<16xi32>
            %lt3A_139 = vector.broadcast %get3A_79 : i32 to vector<16xi32>
            %lt3A_140 = arith.cmpi slt, %add3A_138, %lt3A_139 : vector<16xi32>
            %gather3A = tpu.vector_load_idx %arg9[%and3A_134] : memref<4096xi32, #tpu.memory_space<vmem>>[vector<16xi32>], vector<16xi32>,
            %sub3A_141 = vector.broadcast %select_n3A_85 : i32 to vector<16xi32>
            %sub3A_142 = arith.subi %gather3A, %sub3A_141 : vector<16xi32>
            %jit3A_143 = arith.constant 0 : i32
            %jit3A_144 = arith.constant 4223 : i32
            %max3A = vector.broadcast %jit3A_143 : i32 to vector<16xi32>
            %max3A_145 = arith.maxsi %max3A, %sub3A_142 : vector<16xi32>
            %min3A = vector.broadcast %jit3A_144 : i32 to vector<16xi32>
            %min3A_146 = arith.minsi %min3A, %max3A_145 : vector<16xi32>
            %add3A_147 = arith.constant 0 : i32
            %add3A_148 = vector.broadcast %add3A_147 : i32 to vector<16xi32>
            %add3A_149 = arith.addi %sub3A, %add3A_148 : vector<16xi32>
            %gather3A_150 = tpu.vector_load_idx %arg7[%add3A_149, %min3A_146] : memref<8x4224xf32, #tpu.memory_space<vmem>>[vector<16xi32>, vector<16xi32>], vector<16xf32>,
            %add3A_151 = arith.constant 0 : i32
            %add3A_152 = vector.broadcast %add3A_151 : i32 to vector<16xi32>
            %add3A_153 = arith.addi %sub3A, %add3A_152 : vector<16xi32>
            tpu.vector_store_idx %arg13[%add3A_153, %and3A_134], %gather3A_150 masked %lt3A_140 : memref<8x4096xf32, #tpu.memory_space<vmem>>[vector<16xi32>, vector<16xi32>], vector<16xf32>, vector<16xi1>
            %add3A_154 = arith.constant 1 : i32
            %add3A_155 = vector.broadcast %add3A_154 : i32 to vector<16xi32>
            %add3A_156 = arith.addi %sub3A, %add3A_155 : vector<16xi32>
            %gather3A_157 = tpu.vector_load_idx %arg7[%add3A_156, %min3A_146] : memref<8x4224xf32, #tpu.memory_space<vmem>>[vector<16xi32>, vector<16xi32>], vector<16xf32>,
            %add3A_158 = arith.constant 1 : i32
            %add3A_159 = vector.broadcast %add3A_158 : i32 to vector<16xi32>
            %add3A_160 = arith.addi %sub3A, %add3A_159 : vector<16xi32>
            tpu.vector_store_idx %arg13[%add3A_160, %and3A_134], %gather3A_157 masked %lt3A_140 : memref<8x4096xf32, #tpu.memory_space<vmem>>[vector<16xi32>, vector<16xi32>], vector<16xf32>, vector<16xi1>
            %add3A_161 = arith.constant 2 : i32
            %add3A_162 = vector.broadcast %add3A_161 : i32 to vector<16xi32>
            %add3A_163 = arith.addi %sub3A, %add3A_162 : vector<16xi32>
            %gather3A_164 = tpu.vector_load_idx %arg7[%add3A_163, %min3A_146] : memref<8x4224xf32, #tpu.memory_space<vmem>>[vector<16xi32>, vector<16xi32>], vector<16xf32>,
            %add3A_165 = arith.constant 2 : i32
            %add3A_166 = vector.broadcast %add3A_165 : i32 to vector<16xi32>
            %add3A_167 = arith.addi %sub3A, %add3A_166 : vector<16xi32>
            tpu.vector_store_idx %arg13[%add3A_167, %and3A_134], %gather3A_164 masked %lt3A_140 : memref<8x4096xf32, #tpu.memory_space<vmem>>[vector<16xi32>, vector<16xi32>], vector<16xf32>, vector<16xi1>
            %add3A_168 = arith.constant 3 : i32
            %add3A_169 = vector.broadcast %add3A_168 : i32 to vector<16xi32>
            %add3A_170 = arith.addi %sub3A, %add3A_169 : vector<16xi32>
            %gather3A_171 = tpu.vector_load_idx %arg7[%add3A_170, %min3A_146] : memref<8x4224xf32, #tpu.memory_space<vmem>>[vector<16xi32>, vector<16xi32>], vector<16xf32>,
            %add3A_172 = arith.constant 3 : i32
            %add3A_173 = vector.broadcast %add3A_172 : i32 to vector<16xi32>
            %add3A_174 = arith.addi %sub3A, %add3A_173 : vector<16xi32>
            tpu.vector_store_idx %arg13[%add3A_174, %and3A_134], %gather3A_171 masked %lt3A_140 : memref<8x4096xf32, #tpu.memory_space<vmem>>[vector<16xi32>, vector<16xi32>], vector<16xf32>, vector<16xi1>
            %add3A_175 = arith.constant 4 : i32
            %add3A_176 = vector.broadcast %add3A_175 : i32 to vector<16xi32>
            %add3A_177 = arith.addi %sub3A, %add3A_176 : vector<16xi32>
            %gather3A_178 = tpu.vector_load_idx %arg7[%add3A_177, %min3A_146] : memref<8x4224xf32, #tpu.memory_space<vmem>>[vector<16xi32>, vector<16xi32>], vector<16xf32>,
            %add3A_179 = arith.constant 4 : i32
            %add3A_180 = vector.broadcast %add3A_179 : i32 to vector<16xi32>
            %add3A_181 = arith.addi %sub3A, %add3A_180 : vector<16xi32>
            tpu.vector_store_idx %arg13[%add3A_181, %and3A_134], %gather3A_178 masked %lt3A_140 : memref<8x4096xf32, #tpu.memory_space<vmem>>[vector<16xi32>, vector<16xi32>], vector<16xf32>, vector<16xi1>
            %add3A_182 = arith.constant 5 : i32
            %add3A_183 = vector.broadcast %add3A_182 : i32 to vector<16xi32>
            %add3A_184 = arith.addi %sub3A, %add3A_183 : vector<16xi32>
            %gather3A_185 = tpu.vector_load_idx %arg7[%add3A_184, %min3A_146] : memref<8x4224xf32, #tpu.memory_space<vmem>>[vector<16xi32>, vector<16xi32>], vector<16xf32>,
            %add3A_186 = arith.constant 5 : i32
            %add3A_187 = vector.broadcast %add3A_186 : i32 to vector<16xi32>
            %add3A_188 = arith.addi %sub3A, %add3A_187 : vector<16xi32>
            tpu.vector_store_idx %arg13[%add3A_188, %and3A_134], %gather3A_185 masked %lt3A_140 : memref<8x4096xf32, #tpu.memory_space<vmem>>[vector<16xi32>, vector<16xi32>], vector<16xf32>, vector<16xi1>
            %add3A_189 = arith.constant 6 : i32
            %add3A_190 = vector.broadcast %add3A_189 : i32 to vector<16xi32>
            %add3A_191 = arith.addi %sub3A, %add3A_190 : vector<16xi32>
            %gather3A_192 = tpu.vector_load_idx %arg7[%add3A_191, %min3A_146] : memref<8x4224xf32, #tpu.memory_space<vmem>>[vector<16xi32>, vector<16xi32>], vector<16xf32>,
            %add3A_193 = arith.constant 6 : i32
            %add3A_194 = vector.broadcast %add3A_193 : i32 to vector<16xi32>
            %add3A_195 = arith.addi %sub3A, %add3A_194 : vector<16xi32>
            tpu.vector_store_idx %arg13[%add3A_195, %and3A_134], %gather3A_192 masked %lt3A_140 : memref<8x4096xf32, #tpu.memory_space<vmem>>[vector<16xi32>, vector<16xi32>], vector<16xf32>, vector<16xi1>
            %add3A_196 = arith.constant 7 : i32
            %add3A_197 = vector.broadcast %add3A_196 : i32 to vector<16xi32>
            %add3A_198 = arith.addi %sub3A, %add3A_197 : vector<16xi32>
            %gather3A_199 = tpu.vector_load_idx %arg7[%add3A_198, %min3A_146] : memref<8x4224xf32, #tpu.memory_space<vmem>>[vector<16xi32>, vector<16xi32>], vector<16xf32>,
            %add3A_200 = arith.constant 7 : i32
            %add3A_201 = vector.broadcast %add3A_200 : i32 to vector<16xi32>
            %add3A_202 = arith.addi %sub3A, %add3A_201 : vector<16xi32>
            tpu.vector_store_idx %arg13[%add3A_202, %and3A_134], %gather3A_199 masked %lt3A_140 : memref<8x4096xf32, #tpu.memory_space<vmem>>[vector<16xi32>, vector<16xi32>], vector<16xf32>, vector<16xi1>
            %while3A_203 = arith.constant 0 : i32
            scf.yield %while3A_203 : i32
          }
        } else {
        }
        %eq3A_103 = arith.constant 23 : i32
        %eq3A_104 = arith.cmpi eq, %select_n3A_69, %eq3A_103 : i32
        %convert_element_type3A_105 = arith.extui %eq3A_104 : i1 to i32
        %cond3A_106 = arith.constant 0 : i32
        %cond3A_107 = arith.cmpi ne, %convert_element_type3A_105, %cond3A_106 : i32
        scf.if %cond3A_107 {
          %while3A = arith.constant 0 : i32
          %while3A_109 = arith.constant 0 : i32
          %while3A_110 = arith.subi %shift_right_arithmetic3A_88, %while3A : i32
          %while3A_111 = arith.addi %while3A, %while3A_110 : i32
          %while3A_112 = arith.constant 1 : i32
          %while3A_113 = arith.divsi %while3A_110, %while3A_112 : i32
          %while3A_114 = arith.muli %while3A_113, %while3A_112 : i32
          %while3A_115 = arith.addi %while3A, %while3A_114 : i32
          %while3A_116 = arith.constant 1 : i32
          %while3A_117 = scf.for %while3A_125 = %while3A to %while3A_115 step %while3A_116 iter_args(%while3A_126 = %while3A_109) -> (i32)  : i32 {
            %mul3A_127 = arith.constant 16 : i32
            %mul3A_128 = arith.muli %while3A_125, %mul3A_127 : i32
            %get3A_129 = arith.index_cast %select_n3A_69 : i32 to index
            %get3A_130 = arith.index_cast %mul3A_128 : i32 to index
            %get3A_131 = tpu.vector_load %arg12[%get3A_129, %get3A_130] {strides = array<i32>} : memref<24x352xi32, #tpu.memory_space<vmem>>, vector<16xi32>,
            %and3A_132 = arith.constant 4095 : i32
            %and3A_133 = vector.broadcast %and3A_132 : i32 to vector<16xi32>
            %and3A_134 = arith.andi %get3A_131, %and3A_133 : vector<16xi32>
            %gather3A = tpu.vector_load_idx %arg9[%and3A_134] : memref<4096xi32, #tpu.memory_space<vmem>>[vector<16xi32>], vector<16xi32>,
            %mul3A_135 = arith.constant 16 : i32
            %mul3A_136 = arith.muli %while3A_125, %mul3A_135 : i32
            %add3A_137 = vector.broadcast %mul3A_136 : i32 to vector<16xi32>
            %add3A_138 = arith.addi %add3A_137, %iota3A : vector<16xi32>
            %lt3A_139 = vector.broadcast %get3A_79 : i32 to vector<16xi32>
            %lt3A_140 = arith.cmpi slt, %add3A_138, %lt3A_139 : vector<16xi32>
            %ge3A = arith.constant 99968 : i32
            %ge3A_141 = vector.broadcast %ge3A : i32 to vector<16xi32>
            %ge3A_142 = arith.cmpi sge, %gather3A, %ge3A_141 : vector<16xi32>
            %and3A_143 = arith.andi %lt3A_140, %ge3A_142 : vector<16xi1>
            %sub3A_144 = arith.constant 99968 : i32
            %sub3A_145 = vector.broadcast %sub3A_144 : i32 to vector<16xi32>
            %sub3A_146 = arith.subi %gather3A, %sub3A_145 : vector<16xi32>
            %jit3A_147 = arith.constant 0 : i32
            %jit3A_148 = arith.constant 31 : i32
            %max3A = vector.broadcast %jit3A_147 : i32 to vector<16xi32>
            %max3A_149 = arith.maxsi %max3A, %sub3A_146 : vector<16xi32>
            %min3A = vector.broadcast %jit3A_148 : i32 to vector<16xi32>
            %min3A_150 = arith.minsi %min3A, %max3A_149 : vector<16xi32>
            %mul3A_151 = arith.constant 16 : i32
            %mul3A_152 = vector.broadcast %mul3A_151 : i32 to vector<16xi32>
            %mul3A_153 = arith.muli %min3A_150, %mul3A_152 : vector<16xi32>
            %mul3A_154 = arith.constant 8 : i32
            %mul3A_155 = arith.muli %select_n3A_54, %mul3A_154 : i32
            %add3A_156 = vector.broadcast %mul3A_155 : i32 to vector<16xi32>
            %add3A_157 = arith.addi %mul3A_153, %add3A_156 : vector<16xi32>
            %add3A_158 = arith.constant 0 : i32
            %add3A_159 = vector.broadcast %add3A_158 : i32 to vector<16xi32>
            %add3A_160 = arith.addi %add3A_157, %add3A_159 : vector<16xi32>
            %gather3A_161 = tpu.vector_load_idx %arg11[%add3A_160] : memref<512xf32, #tpu.memory_space<vmem>>[vector<16xi32>], vector<16xf32>,
            %add3A_162 = arith.constant 0 : i32
            %add3A_163 = vector.broadcast %add3A_162 : i32 to vector<16xi32>
            %add3A_164 = arith.addi %sub3A, %add3A_163 : vector<16xi32>
            tpu.vector_store_idx %arg13[%add3A_164, %and3A_134], %gather3A_161 masked %and3A_143 : memref<8x4096xf32, #tpu.memory_space<vmem>>[vector<16xi32>, vector<16xi32>], vector<16xf32>, vector<16xi1>
            %add3A_165 = arith.constant 1 : i32
            %add3A_166 = vector.broadcast %add3A_165 : i32 to vector<16xi32>
            %add3A_167 = arith.addi %add3A_157, %add3A_166 : vector<16xi32>
            %gather3A_168 = tpu.vector_load_idx %arg11[%add3A_167] : memref<512xf32, #tpu.memory_space<vmem>>[vector<16xi32>], vector<16xf32>,
            %add3A_169 = arith.constant 1 : i32
            %add3A_170 = vector.broadcast %add3A_169 : i32 to vector<16xi32>
            %add3A_171 = arith.addi %sub3A, %add3A_170 : vector<16xi32>
            tpu.vector_store_idx %arg13[%add3A_171, %and3A_134], %gather3A_168 masked %and3A_143 : memref<8x4096xf32, #tpu.memory_space<vmem>>[vector<16xi32>, vector<16xi32>], vector<16xf32>, vector<16xi1>
            %add3A_172 = arith.constant 2 : i32
            %add3A_173 = vector.broadcast %add3A_172 : i32 to vector<16xi32>
            %add3A_174 = arith.addi %add3A_157, %add3A_173 : vector<16xi32>
            %gather3A_175 = tpu.vector_load_idx %arg11[%add3A_174] : memref<512xf32, #tpu.memory_space<vmem>>[vector<16xi32>], vector<16xf32>,
            %add3A_176 = arith.constant 2 : i32
            %add3A_177 = vector.broadcast %add3A_176 : i32 to vector<16xi32>
            %add3A_178 = arith.addi %sub3A, %add3A_177 : vector<16xi32>
            tpu.vector_store_idx %arg13[%add3A_178, %and3A_134], %gather3A_175 masked %and3A_143 : memref<8x4096xf32, #tpu.memory_space<vmem>>[vector<16xi32>, vector<16xi32>], vector<16xf32>, vector<16xi1>
            %add3A_179 = arith.constant 3 : i32
            %add3A_180 = vector.broadcast %add3A_179 : i32 to vector<16xi32>
            %add3A_181 = arith.addi %add3A_157, %add3A_180 : vector<16xi32>
            %gather3A_182 = tpu.vector_load_idx %arg11[%add3A_181] : memref<512xf32, #tpu.memory_space<vmem>>[vector<16xi32>], vector<16xf32>,
            %add3A_183 = arith.constant 3 : i32
            %add3A_184 = vector.broadcast %add3A_183 : i32 to vector<16xi32>
            %add3A_185 = arith.addi %sub3A, %add3A_184 : vector<16xi32>
            tpu.vector_store_idx %arg13[%add3A_185, %and3A_134], %gather3A_182 masked %and3A_143 : memref<8x4096xf32, #tpu.memory_space<vmem>>[vector<16xi32>, vector<16xi32>], vector<16xf32>, vector<16xi1>
            %add3A_186 = arith.constant 4 : i32
            %add3A_187 = vector.broadcast %add3A_186 : i32 to vector<16xi32>
            %add3A_188 = arith.addi %add3A_157, %add3A_187 : vector<16xi32>
            %gather3A_189 = tpu.vector_load_idx %arg11[%add3A_188] : memref<512xf32, #tpu.memory_space<vmem>>[vector<16xi32>], vector<16xf32>,
            %add3A_190 = arith.constant 4 : i32
            %add3A_191 = vector.broadcast %add3A_190 : i32 to vector<16xi32>
            %add3A_192 = arith.addi %sub3A, %add3A_191 : vector<16xi32>
            tpu.vector_store_idx %arg13[%add3A_192, %and3A_134], %gather3A_189 masked %and3A_143 : memref<8x4096xf32, #tpu.memory_space<vmem>>[vector<16xi32>, vector<16xi32>], vector<16xf32>, vector<16xi1>
            %add3A_193 = arith.constant 5 : i32
            %add3A_194 = vector.broadcast %add3A_193 : i32 to vector<16xi32>
            %add3A_195 = arith.addi %add3A_157, %add3A_194 : vector<16xi32>
            %gather3A_196 = tpu.vector_load_idx %arg11[%add3A_195] : memref<512xf32, #tpu.memory_space<vmem>>[vector<16xi32>], vector<16xf32>,
            %add3A_197 = arith.constant 5 : i32
            %add3A_198 = vector.broadcast %add3A_197 : i32 to vector<16xi32>
            %add3A_199 = arith.addi %sub3A, %add3A_198 : vector<16xi32>
            tpu.vector_store_idx %arg13[%add3A_199, %and3A_134], %gather3A_196 masked %and3A_143 : memref<8x4096xf32, #tpu.memory_space<vmem>>[vector<16xi32>, vector<16xi32>], vector<16xf32>, vector<16xi1>
            %add3A_200 = arith.constant 6 : i32
            %add3A_201 = vector.broadcast %add3A_200 : i32 to vector<16xi32>
            %add3A_202 = arith.addi %add3A_157, %add3A_201 : vector<16xi32>
            %gather3A_203 = tpu.vector_load_idx %arg11[%add3A_202] : memref<512xf32, #tpu.memory_space<vmem>>[vector<16xi32>], vector<16xf32>,
            %add3A_204 = arith.constant 6 : i32
            %add3A_205 = vector.broadcast %add3A_204 : i32 to vector<16xi32>
            %add3A_206 = arith.addi %sub3A, %add3A_205 : vector<16xi32>
            tpu.vector_store_idx %arg13[%add3A_206, %and3A_134], %gather3A_203 masked %and3A_143 : memref<8x4096xf32, #tpu.memory_space<vmem>>[vector<16xi32>, vector<16xi32>], vector<16xf32>, vector<16xi1>
            %add3A_207 = arith.constant 7 : i32
            %add3A_208 = vector.broadcast %add3A_207 : i32 to vector<16xi32>
            %add3A_209 = arith.addi %add3A_157, %add3A_208 : vector<16xi32>
            %gather3A_210 = tpu.vector_load_idx %arg11[%add3A_209] : memref<512xf32, #tpu.memory_space<vmem>>[vector<16xi32>], vector<16xf32>,
            %add3A_211 = arith.constant 7 : i32
            %add3A_212 = vector.broadcast %add3A_211 : i32 to vector<16xi32>
            %add3A_213 = arith.addi %sub3A, %add3A_212 : vector<16xi32>
            tpu.vector_store_idx %arg13[%add3A_213, %and3A_134], %gather3A_210 masked %and3A_143 : memref<8x4096xf32, #tpu.memory_space<vmem>>[vector<16xi32>, vector<16xi32>], vector<16xf32>, vector<16xi1>
            %while3A_214 = arith.constant 0 : i32
            scf.yield %while3A_214 : i32
          }
          %while3A_118 = arith.constant 1 : i32
          %while3A_119 = scf.for %while3A_125 = %while3A_115 to %while3A_111 step %while3A_118 iter_args(%while3A_126 = %while3A_117) -> (i32)  : i32 {
            %mul3A_127 = arith.constant 16 : i32
            %mul3A_128 = arith.muli %while3A_125, %mul3A_127 : i32
            %get3A_129 = arith.index_cast %select_n3A_69 : i32 to index
            %get3A_130 = arith.index_cast %mul3A_128 : i32 to index
            %get3A_131 = tpu.vector_load %arg12[%get3A_129, %get3A_130] {strides = array<i32>} : memref<24x352xi32, #tpu.memory_space<vmem>>, vector<16xi32>,
            %and3A_132 = arith.constant 4095 : i32
            %and3A_133 = vector.broadcast %and3A_132 : i32 to vector<16xi32>
            %and3A_134 = arith.andi %get3A_131, %and3A_133 : vector<16xi32>
            %gather3A = tpu.vector_load_idx %arg9[%and3A_134] : memref<4096xi32, #tpu.memory_space<vmem>>[vector<16xi32>], vector<16xi32>,
            %mul3A_135 = arith.constant 16 : i32
            %mul3A_136 = arith.muli %while3A_125, %mul3A_135 : i32
            %add3A_137 = vector.broadcast %mul3A_136 : i32 to vector<16xi32>
            %add3A_138 = arith.addi %add3A_137, %iota3A : vector<16xi32>
            %lt3A_139 = vector.broadcast %get3A_79 : i32 to vector<16xi32>
            %lt3A_140 = arith.cmpi slt, %add3A_138, %lt3A_139 : vector<16xi32>
            %ge3A = arith.constant 99968 : i32
            %ge3A_141 = vector.broadcast %ge3A : i32 to vector<16xi32>
            %ge3A_142 = arith.cmpi sge, %gather3A, %ge3A_141 : vector<16xi32>
            %and3A_143 = arith.andi %lt3A_140, %ge3A_142 : vector<16xi1>
            %sub3A_144 = arith.constant 99968 : i32
            %sub3A_145 = vector.broadcast %sub3A_144 : i32 to vector<16xi32>
            %sub3A_146 = arith.subi %gather3A, %sub3A_145 : vector<16xi32>
            %jit3A_147 = arith.constant 0 : i32
            %jit3A_148 = arith.constant 31 : i32
            %max3A = vector.broadcast %jit3A_147 : i32 to vector<16xi32>
            %max3A_149 = arith.maxsi %max3A, %sub3A_146 : vector<16xi32>
            %min3A = vector.broadcast %jit3A_148 : i32 to vector<16xi32>
            %min3A_150 = arith.minsi %min3A, %max3A_149 : vector<16xi32>
            %mul3A_151 = arith.constant 16 : i32
            %mul3A_152 = vector.broadcast %mul3A_151 : i32 to vector<16xi32>
            %mul3A_153 = arith.muli %min3A_150, %mul3A_152 : vector<16xi32>
            %mul3A_154 = arith.constant 8 : i32
            %mul3A_155 = arith.muli %select_n3A_54, %mul3A_154 : i32
            %add3A_156 = vector.broadcast %mul3A_155 : i32 to vector<16xi32>
            %add3A_157 = arith.addi %mul3A_153, %add3A_156 : vector<16xi32>
            %add3A_158 = arith.constant 0 : i32
            %add3A_159 = vector.broadcast %add3A_158 : i32 to vector<16xi32>
            %add3A_160 = arith.addi %add3A_157, %add3A_159 : vector<16xi32>
            %gather3A_161 = tpu.vector_load_idx %arg11[%add3A_160] : memref<512xf32, #tpu.memory_space<vmem>>[vector<16xi32>], vector<16xf32>,
            %add3A_162 = arith.constant 0 : i32
            %add3A_163 = vector.broadcast %add3A_162 : i32 to vector<16xi32>
            %add3A_164 = arith.addi %sub3A, %add3A_163 : vector<16xi32>
            tpu.vector_store_idx %arg13[%add3A_164, %and3A_134], %gather3A_161 masked %and3A_143 : memref<8x4096xf32, #tpu.memory_space<vmem>>[vector<16xi32>, vector<16xi32>], vector<16xf32>, vector<16xi1>
            %add3A_165 = arith.constant 1 : i32
            %add3A_166 = vector.broadcast %add3A_165 : i32 to vector<16xi32>
            %add3A_167 = arith.addi %add3A_157, %add3A_166 : vector<16xi32>
            %gather3A_168 = tpu.vector_load_idx %arg11[%add3A_167] : memref<512xf32, #tpu.memory_space<vmem>>[vector<16xi32>], vector<16xf32>,
            %add3A_169 = arith.constant 1 : i32
            %add3A_170 = vector.broadcast %add3A_169 : i32 to vector<16xi32>
            %add3A_171 = arith.addi %sub3A, %add3A_170 : vector<16xi32>
            tpu.vector_store_idx %arg13[%add3A_171, %and3A_134], %gather3A_168 masked %and3A_143 : memref<8x4096xf32, #tpu.memory_space<vmem>>[vector<16xi32>, vector<16xi32>], vector<16xf32>, vector<16xi1>
            %add3A_172 = arith.constant 2 : i32
            %add3A_173 = vector.broadcast %add3A_172 : i32 to vector<16xi32>
            %add3A_174 = arith.addi %add3A_157, %add3A_173 : vector<16xi32>
            %gather3A_175 = tpu.vector_load_idx %arg11[%add3A_174] : memref<512xf32, #tpu.memory_space<vmem>>[vector<16xi32>], vector<16xf32>,
            %add3A_176 = arith.constant 2 : i32
            %add3A_177 = vector.broadcast %add3A_176 : i32 to vector<16xi32>
            %add3A_178 = arith.addi %sub3A, %add3A_177 : vector<16xi32>
            tpu.vector_store_idx %arg13[%add3A_178, %and3A_134], %gather3A_175 masked %and3A_143 : memref<8x4096xf32, #tpu.memory_space<vmem>>[vector<16xi32>, vector<16xi32>], vector<16xf32>, vector<16xi1>
            %add3A_179 = arith.constant 3 : i32
            %add3A_180 = vector.broadcast %add3A_179 : i32 to vector<16xi32>
            %add3A_181 = arith.addi %add3A_157, %add3A_180 : vector<16xi32>
            %gather3A_182 = tpu.vector_load_idx %arg11[%add3A_181] : memref<512xf32, #tpu.memory_space<vmem>>[vector<16xi32>], vector<16xf32>,
            %add3A_183 = arith.constant 3 : i32
            %add3A_184 = vector.broadcast %add3A_183 : i32 to vector<16xi32>
            %add3A_185 = arith.addi %sub3A, %add3A_184 : vector<16xi32>
            tpu.vector_store_idx %arg13[%add3A_185, %and3A_134], %gather3A_182 masked %and3A_143 : memref<8x4096xf32, #tpu.memory_space<vmem>>[vector<16xi32>, vector<16xi32>], vector<16xf32>, vector<16xi1>
            %add3A_186 = arith.constant 4 : i32
            %add3A_187 = vector.broadcast %add3A_186 : i32 to vector<16xi32>
            %add3A_188 = arith.addi %add3A_157, %add3A_187 : vector<16xi32>
            %gather3A_189 = tpu.vector_load_idx %arg11[%add3A_188] : memref<512xf32, #tpu.memory_space<vmem>>[vector<16xi32>], vector<16xf32>,
            %add3A_190 = arith.constant 4 : i32
            %add3A_191 = vector.broadcast %add3A_190 : i32 to vector<16xi32>
            %add3A_192 = arith.addi %sub3A, %add3A_191 : vector<16xi32>
            tpu.vector_store_idx %arg13[%add3A_192, %and3A_134], %gather3A_189 masked %and3A_143 : memref<8x4096xf32, #tpu.memory_space<vmem>>[vector<16xi32>, vector<16xi32>], vector<16xf32>, vector<16xi1>
            %add3A_193 = arith.constant 5 : i32
            %add3A_194 = vector.broadcast %add3A_193 : i32 to vector<16xi32>
            %add3A_195 = arith.addi %add3A_157, %add3A_194 : vector<16xi32>
            %gather3A_196 = tpu.vector_load_idx %arg11[%add3A_195] : memref<512xf32, #tpu.memory_space<vmem>>[vector<16xi32>], vector<16xf32>,
            %add3A_197 = arith.constant 5 : i32
            %add3A_198 = vector.broadcast %add3A_197 : i32 to vector<16xi32>
            %add3A_199 = arith.addi %sub3A, %add3A_198 : vector<16xi32>
            tpu.vector_store_idx %arg13[%add3A_199, %and3A_134], %gather3A_196 masked %and3A_143 : memref<8x4096xf32, #tpu.memory_space<vmem>>[vector<16xi32>, vector<16xi32>], vector<16xf32>, vector<16xi1>
            %add3A_200 = arith.constant 6 : i32
            %add3A_201 = vector.broadcast %add3A_200 : i32 to vector<16xi32>
            %add3A_202 = arith.addi %add3A_157, %add3A_201 : vector<16xi32>
            %gather3A_203 = tpu.vector_load_idx %arg11[%add3A_202] : memref<512xf32, #tpu.memory_space<vmem>>[vector<16xi32>], vector<16xf32>,
            %add3A_204 = arith.constant 6 : i32
            %add3A_205 = vector.broadcast %add3A_204 : i32 to vector<16xi32>
            %add3A_206 = arith.addi %sub3A, %add3A_205 : vector<16xi32>
            tpu.vector_store_idx %arg13[%add3A_206, %and3A_134], %gather3A_203 masked %and3A_143 : memref<8x4096xf32, #tpu.memory_space<vmem>>[vector<16xi32>, vector<16xi32>], vector<16xf32>, vector<16xi1>
            %add3A_207 = arith.constant 7 : i32
            %add3A_208 = vector.broadcast %add3A_207 : i32 to vector<16xi32>
            %add3A_209 = arith.addi %add3A_157, %add3A_208 : vector<16xi32>
            %gather3A_210 = tpu.vector_load_idx %arg11[%add3A_209] : memref<512xf32, #tpu.memory_space<vmem>>[vector<16xi32>], vector<16xf32>,
            %add3A_211 = arith.constant 7 : i32
            %add3A_212 = vector.broadcast %add3A_211 : i32 to vector<16xi32>
            %add3A_213 = arith.addi %sub3A, %add3A_212 : vector<16xi32>
            tpu.vector_store_idx %arg13[%add3A_213, %and3A_134], %gather3A_210 masked %and3A_143 : memref<8x4096xf32, #tpu.memory_space<vmem>>[vector<16xi32>, vector<16xi32>], vector<16xf32>, vector<16xi1>
            %while3A_214 = arith.constant 0 : i32
            scf.yield %while3A_214 : i32
          }
          %mul3A_120 = arith.constant 16 : i32
          %mul3A_121 = arith.muli %add3A, %mul3A_120 : i32
          %mul3A_122 = arith.constant 8 : i32
          %mul3A_123 = arith.muli %select_n3A_54, %mul3A_122 : i32
          %add3A_124 = arith.addi %mul3A_121, %mul3A_123 : i32
          "tpu.region"() ({
            %run_scoped3A = tpu.sem_alloc : memref<!tpu.dma_semaphore, #tpu.memory_space<semaphore_mem>>
            %dma_start3A_125 = arith.constant 0 : i32
            %dma_start3A_126 = tpu.memref_slice %arg5[%add3A_124, %dma_start3A_125] : memref<416x4096xf32, #tpu.memory_space<hbm>> -> memref<8x4096xf32, #tpu.memory_space<hbm>>
            %dma_start3A_127 = arith.constant 0 : i32
            %dma_start3A_128 = tpu.memref_slice %arg5[%add3A_124, %dma_start3A_127] : memref<416x4096xf32, #tpu.memory_space<hbm>> -> memref<8x4096xf32, #tpu.memory_space<hbm>>
            tpu.enqueue_dma source(%arg13 : memref<8x4096xf32, #tpu.memory_space<vmem>>) target(%dma_start3A_128 : memref<8x4096xf32, #tpu.memory_space<hbm>>) target_semaphore(%run_scoped3A : memref<!tpu.dma_semaphore, #tpu.memory_space<semaphore_mem>>)
            %dma_wait3A = arith.constant 0 : i32
            %dma_wait3A_129 = tpu.memref_slice %arg5[%add3A_124, %dma_wait3A] : memref<416x4096xf32, #tpu.memory_space<hbm>> -> memref<8x4096xf32, #tpu.memory_space<hbm>>
            %dma_wait3A_130 = arith.constant 0 : i32
            %dma_wait3A_131 = tpu.memref_slice %arg5[%add3A_124, %dma_wait3A_130] : memref<416x4096xf32, #tpu.memory_space<hbm>> -> memref<8x4096xf32, #tpu.memory_space<hbm>>
            tpu.wait_dma2 semaphore(%run_scoped3A : memref<!tpu.dma_semaphore, #tpu.memory_space<semaphore_mem>>) src(%arg13 : memref<8x4096xf32, #tpu.memory_space<vmem>>) dst(%dma_wait3A_131 : memref<8x4096xf32, #tpu.memory_space<hbm>>)
            tpu.yield
          }) : () -> ()
        } else {
        }
        %scan3A_108 = arith.constant 0 : i32
        scf.yield %scan3A_108 : i32
      }
      %scan3A_33 = arith.constant 48 : i32
    } else {
    }
    return
  }
}

module attributes {stable_mosaic.version = 14 : i64} {
  func.func @_tc_body(%arg0: i32, %arg1: memref<512x13xf32, #tpu.memory_space<vmem>>, %arg2: memref<416x512xf32, #tpu.memory_space<vmem>>, %arg3: memref<1x1xf32, #tpu.memory_space<vmem>>, %arg4: memref<13x1xf32, #tpu.memory_space<vmem>>, %arg5: memref<416x1xf32, #tpu.memory_space<vmem>>, %arg6: memref<13x8xf32, #tpu.memory_space<vmem>>, %arg7: memref<416x8xf32, #tpu.memory_space<vmem>>, %arg8: memref<13x256xf32, #tpu.memory_space<vmem>>, %arg9: memref<416x256xf32, #tpu.memory_space<vmem>>, %arg10: memref<1x256xf32, #tpu.memory_space<vmem>>, %arg11: memref<256x128xf32, #tpu.memory_space<vmem>>, %arg12: memref<1x128xf32, #tpu.memory_space<vmem>>, %arg13: memref<128x64xf32, #tpu.memory_space<vmem>>, %arg14: memref<1x64xf32, #tpu.memory_space<vmem>>, %arg15: memref<64x1xf32, #tpu.memory_space<vmem>>, %arg16: memref<1x1xf32, #tpu.memory_space<vmem>>, %arg17: memref<512x1xf32, #tpu.memory_space<vmem>>) attributes {dimension_semantics = [#tpu.dimension_semantics<arbitrary>], iteration_bounds = array<i64: 8>, scalar_prefetch = 0 : i64, scratch_operands = 0 : i64, tpu.core_type = #tpu.core_type<tc>, window_params = [{transform_indices = @transform_0, window_bounds = array<i64: 512, 13>}, {transform_indices = @transform_1, window_bounds = array<i64: 416, 512>}, {pipeline_mode = #tpu.pipeline_mode<synchronous>, transform_indices = @transform_2, window_bounds = array<i64: 1, 1>}, {pipeline_mode = #tpu.pipeline_mode<synchronous>, transform_indices = @transform_3, window_bounds = array<i64: 13, 1>}, {pipeline_mode = #tpu.pipeline_mode<synchronous>, transform_indices = @transform_4, window_bounds = array<i64: 416, 1>}, {pipeline_mode = #tpu.pipeline_mode<synchronous>, transform_indices = @transform_5, window_bounds = array<i64: 13, 8>}, {pipeline_mode = #tpu.pipeline_mode<synchronous>, transform_indices = @transform_6, window_bounds = array<i64: 416, 8>}, {pipeline_mode = #tpu.pipeline_mode<synchronous>, transform_indices = @transform_7, window_bounds = array<i64: 13, 256>}, {pipeline_mode = #tpu.pipeline_mode<synchronous>, transform_indices = @transform_8, window_bounds = array<i64: 416, 256>}, {pipeline_mode = #tpu.pipeline_mode<synchronous>, transform_indices = @transform_9, window_bounds = array<i64: 1, 256>}, {pipeline_mode = #tpu.pipeline_mode<synchronous>, transform_indices = @transform_10, window_bounds = array<i64: 256, 128>}, {pipeline_mode = #tpu.pipeline_mode<synchronous>, transform_indices = @transform_11, window_bounds = array<i64: 1, 128>}, {pipeline_mode = #tpu.pipeline_mode<synchronous>, transform_indices = @transform_12, window_bounds = array<i64: 128, 64>}, {pipeline_mode = #tpu.pipeline_mode<synchronous>, transform_indices = @transform_13, window_bounds = array<i64: 1, 64>}, {pipeline_mode = #tpu.pipeline_mode<synchronous>, transform_indices = @transform_14, window_bounds = array<i64: 64, 1>}, {pipeline_mode = #tpu.pipeline_mode<synchronous>, transform_indices = @transform_15, window_bounds = array<i64: 1, 1>}, {transform_indices = @transform_16, window_bounds = array<i64: 512, 1>}]} {
    %get3A = arith.constant 0 : index
    %get3A_0 = arith.constant 0 : index
    %get3A_1 = vector.load %arg1[%get3A, %get3A_0] : memref<512x13xf32, #tpu.memory_space<vmem>>, vector<512x13xf32>
    %get3A_2 = arith.constant 0 : index
    %get3A_3 = arith.constant 0 : index
    %get3A_4 = vector.load %arg2[%get3A_2, %get3A_3] : memref<416x512xf32, #tpu.memory_space<vmem>>, vector<416x512xf32>
    %get3A_5 = arith.constant 0 : index
    %get3A_6 = arith.constant 0 : index
    %get3A_7 = vector.load %arg4[%get3A_5, %get3A_6] : memref<13x1xf32, #tpu.memory_space<vmem>>, vector<13x1xf32>
    %dot_general3A = arith.constant dense<0.000000e+00> : vector<512x1xf32>
    %dot_general3A_8 = tpu.matmul %get3A_1, %get3A_7, %dot_general3A {dimension_numbers = #tpu.dot_dimension_numbers<[1], [0], [0], [1], [0, 0, 1, 1], [], []>, transpose_lhs_hint = false} : vector<512x13xf32>, vector<13x1xf32>, vector<512x1xf32> -> vector<512x1xf32>
    %get3A_9 = arith.constant 0 : index
    %get3A_10 = arith.constant 0 : index
    %get3A_11 = vector.load %arg5[%get3A_9, %get3A_10] : memref<416x1xf32, #tpu.memory_space<vmem>>, vector<416x1xf32>
    %dot_general3A_12 = arith.constant dense<0.000000e+00> : vector<512x1xf32>
    %dot_general3A_13 = tpu.matmul %get3A_4, %get3A_11, %dot_general3A_12 {dimension_numbers = #tpu.dot_dimension_numbers<[0], [0], [1], [1], [0, 1, 1, 1], [], []>, transpose_lhs_hint = false} : vector<416x512xf32>, vector<416x1xf32>, vector<512x1xf32> -> vector<512x1xf32>
    %add3A = arith.addf %dot_general3A_8, %dot_general3A_13 : vector<512x1xf32>
    %get3A_14 = arith.constant 0 : index
    %get3A_15 = arith.constant 0 : index
    %get3A_16 = vector.load %arg3[%get3A_14, %get3A_15] : memref<1x1xf32, #tpu.memory_space<vmem>>, vector<1x1xf32>
    %get3A_17 = vector.extract %get3A_16[0, 0] : f32 from vector<1x1xf32>
    %add3A_18 = vector.broadcast %get3A_17 : f32 to vector<512x1xf32>
    %add3A_19 = arith.addf %add3A, %add3A_18 : vector<512x1xf32>
    %get3A_20 = arith.constant 0 : index
    %get3A_21 = arith.constant 0 : index
    %get3A_22 = vector.load %arg6[%get3A_20, %get3A_21] : memref<13x8xf32, #tpu.memory_space<vmem>>, vector<13x8xf32>
    %get3A_23 = arith.constant 0 : index
    %get3A_24 = arith.constant 0 : index
    %get3A_25 = vector.load %arg7[%get3A_23, %get3A_24] : memref<416x8xf32, #tpu.memory_space<vmem>>, vector<416x8xf32>
    %dot_general3A_26 = arith.constant dense<0.000000e+00> : vector<512x8xf32>
    %dot_general3A_27 = tpu.matmul %get3A_1, %get3A_22, %dot_general3A_26 {dimension_numbers = #tpu.dot_dimension_numbers<[1], [0], [0], [1], [0, 0, 1, 1], [], []>, transpose_lhs_hint = false} : vector<512x13xf32>, vector<13x8xf32>, vector<512x8xf32> -> vector<512x8xf32>
    %dot_general3A_28 = arith.constant dense<0.000000e+00> : vector<512x8xf32>
    %dot_general3A_29 = tpu.matmul %get3A_4, %get3A_25, %dot_general3A_28 {dimension_numbers = #tpu.dot_dimension_numbers<[0], [0], [1], [1], [0, 1, 1, 1], [], []>, transpose_lhs_hint = false} : vector<416x512xf32>, vector<416x8xf32>, vector<512x8xf32> -> vector<512x8xf32>
    %add3A_30 = arith.addf %dot_general3A_27, %dot_general3A_29 : vector<512x8xf32>
    %mul3A = arith.mulf %get3A_1, %get3A_1 : vector<512x13xf32>
    %mul3A_31 = arith.mulf %get3A_22, %get3A_22 : vector<13x8xf32>
    %dot_general3A_32 = arith.constant dense<0.000000e+00> : vector<512x8xf32>
    %dot_general3A_33 = tpu.matmul %mul3A, %mul3A_31, %dot_general3A_32 {dimension_numbers = #tpu.dot_dimension_numbers<[1], [0], [0], [1], [0, 0, 1, 1], [], []>, transpose_lhs_hint = false} : vector<512x13xf32>, vector<13x8xf32>, vector<512x8xf32> -> vector<512x8xf32>
    %mul3A_34 = arith.mulf %get3A_4, %get3A_4 : vector<416x512xf32>
    %mul3A_35 = arith.mulf %get3A_25, %get3A_25 : vector<416x8xf32>
    %dot_general3A_36 = arith.constant dense<0.000000e+00> : vector<512x8xf32>
    %dot_general3A_37 = tpu.matmul %mul3A_34, %mul3A_35, %dot_general3A_36 {dimension_numbers = #tpu.dot_dimension_numbers<[0], [0], [1], [1], [0, 1, 1, 1], [], []>, transpose_lhs_hint = false} : vector<416x512xf32>, vector<416x8xf32>, vector<512x8xf32> -> vector<512x8xf32>
    %add3A_38 = arith.addf %dot_general3A_33, %dot_general3A_37 : vector<512x8xf32>
    %mul3A_39 = arith.mulf %add3A_30, %add3A_30 : vector<512x8xf32>
    %sub3A = arith.subf %mul3A_39, %add3A_38 : vector<512x8xf32>
    %reduce_sum3A = arith.constant dense<0.000000e+00> : vector<512xf32>
    %reduce_sum3A_40 = vector.multi_reduction <add>, %sub3A, %reduce_sum3A [1] : vector<512x8xf32> to vector<512xf32>
    %broadcast_in_dim3A = vector.shape_cast %reduce_sum3A_40 : vector<512xf32> to vector<512x1xf32>
    %mul3A_41 = arith.constant 5.000000e-01 : f32
    %mul3A_42 = vector.broadcast %mul3A_41 : f32 to vector<512x1xf32>
    %mul3A_43 = arith.mulf %mul3A_42, %broadcast_in_dim3A : vector<512x1xf32>
    %add3A_44 = arith.addf %add3A_19, %mul3A_43 : vector<512x1xf32>
    %logistic3A = arith.negf %add3A_44 : vector<512x1xf32>
    %logistic3A_45 = math.exp %logistic3A : vector<512x1xf32>
    %logistic3A_46 = arith.constant 1.000000e+00 : f32
    %logistic3A_47 = vector.broadcast %logistic3A_46 : f32 to vector<512x1xf32>
    %logistic3A_48 = arith.addf %logistic3A_47, %logistic3A_45 : vector<512x1xf32>
    %logistic3A_49 = arith.divf %logistic3A_47, %logistic3A_48 : vector<512x1xf32>
    %get3A_50 = arith.constant 0 : index
    %get3A_51 = arith.constant 0 : index
    %get3A_52 = vector.load %arg8[%get3A_50, %get3A_51] : memref<13x256xf32, #tpu.memory_space<vmem>>, vector<13x256xf32>
    %dot_general3A_53 = arith.constant dense<0.000000e+00> : vector<512x256xf32>
    %dot_general3A_54 = tpu.matmul %get3A_1, %get3A_52, %dot_general3A_53 {dimension_numbers = #tpu.dot_dimension_numbers<[1], [0], [0], [1], [0, 0, 1, 1], [], []>, transpose_lhs_hint = false} : vector<512x13xf32>, vector<13x256xf32>, vector<512x256xf32> -> vector<512x256xf32>
    %get3A_55 = arith.constant 0 : index
    %get3A_56 = arith.constant 0 : index
    %get3A_57 = vector.load %arg9[%get3A_55, %get3A_56] : memref<416x256xf32, #tpu.memory_space<vmem>>, vector<416x256xf32>
    %dot_general3A_58 = arith.constant dense<0.000000e+00> : vector<512x256xf32>
    %dot_general3A_59 = tpu.matmul %get3A_4, %get3A_57, %dot_general3A_58 {dimension_numbers = #tpu.dot_dimension_numbers<[0], [0], [1], [1], [0, 1, 1, 1], [], []>, transpose_lhs_hint = false} : vector<416x512xf32>, vector<416x256xf32>, vector<512x256xf32> -> vector<512x256xf32>
    %add3A_60 = arith.addf %dot_general3A_54, %dot_general3A_59 : vector<512x256xf32>
    %get3A_61 = arith.constant 0 : index
    %get3A_62 = arith.constant 0 : index
    %get3A_63 = vector.load %arg10[%get3A_61, %get3A_62] : memref<1x256xf32, #tpu.memory_space<vmem>>, vector<1x256xf32>
    %add3A_64 = vector.broadcast %get3A_63 : vector<1x256xf32> to vector<512x256xf32>
    %add3A_65 = arith.addf %add3A_60, %add3A_64 : vector<512x256xf32>
    %max3A = arith.constant 0.000000e+00 : f32
    %max3A_66 = vector.broadcast %max3A : f32 to vector<512x256xf32>
    %max3A_67 = arith.maximumf %add3A_65, %max3A_66 : vector<512x256xf32>
    %get3A_68 = arith.constant 0 : index
    %get3A_69 = arith.constant 0 : index
    %get3A_70 = vector.load %arg11[%get3A_68, %get3A_69] : memref<256x128xf32, #tpu.memory_space<vmem>>, vector<256x128xf32>
    %dot_general3A_71 = arith.constant dense<0.000000e+00> : vector<512x128xf32>
    %dot_general3A_72 = tpu.matmul %max3A_67, %get3A_70, %dot_general3A_71 {dimension_numbers = #tpu.dot_dimension_numbers<[1], [0], [0], [1], [0, 0, 1, 1], [], []>, transpose_lhs_hint = false} : vector<512x256xf32>, vector<256x128xf32>, vector<512x128xf32> -> vector<512x128xf32>
    %get3A_73 = arith.constant 0 : index
    %get3A_74 = arith.constant 0 : index
    %get3A_75 = vector.load %arg12[%get3A_73, %get3A_74] : memref<1x128xf32, #tpu.memory_space<vmem>>, vector<1x128xf32>
    %add3A_76 = vector.broadcast %get3A_75 : vector<1x128xf32> to vector<512x128xf32>
    %add3A_77 = arith.addf %dot_general3A_72, %add3A_76 : vector<512x128xf32>
    %max3A_78 = arith.constant 0.000000e+00 : f32
    %max3A_79 = vector.broadcast %max3A_78 : f32 to vector<512x128xf32>
    %max3A_80 = arith.maximumf %add3A_77, %max3A_79 : vector<512x128xf32>
    %get3A_81 = arith.constant 0 : index
    %get3A_82 = arith.constant 0 : index
    %get3A_83 = vector.load %arg13[%get3A_81, %get3A_82] : memref<128x64xf32, #tpu.memory_space<vmem>>, vector<128x64xf32>
    %dot_general3A_84 = arith.constant dense<0.000000e+00> : vector<512x64xf32>
    %dot_general3A_85 = tpu.matmul %max3A_80, %get3A_83, %dot_general3A_84 {dimension_numbers = #tpu.dot_dimension_numbers<[1], [0], [0], [1], [0, 0, 1, 1], [], []>, transpose_lhs_hint = false} : vector<512x128xf32>, vector<128x64xf32>, vector<512x64xf32> -> vector<512x64xf32>
    %get3A_86 = arith.constant 0 : index
    %get3A_87 = arith.constant 0 : index
    %get3A_88 = vector.load %arg14[%get3A_86, %get3A_87] : memref<1x64xf32, #tpu.memory_space<vmem>>, vector<1x64xf32>
    %add3A_89 = vector.broadcast %get3A_88 : vector<1x64xf32> to vector<512x64xf32>
    %add3A_90 = arith.addf %dot_general3A_85, %add3A_89 : vector<512x64xf32>
    %max3A_91 = arith.constant 0.000000e+00 : f32
    %max3A_92 = vector.broadcast %max3A_91 : f32 to vector<512x64xf32>
    %max3A_93 = arith.maximumf %add3A_90, %max3A_92 : vector<512x64xf32>
    %get3A_94 = arith.constant 0 : index
    %get3A_95 = arith.constant 0 : index
    %get3A_96 = vector.load %arg15[%get3A_94, %get3A_95] : memref<64x1xf32, #tpu.memory_space<vmem>>, vector<64x1xf32>
    %dot_general3A_97 = arith.constant dense<0.000000e+00> : vector<512x1xf32>
    %dot_general3A_98 = tpu.matmul %max3A_93, %get3A_96, %dot_general3A_97 {dimension_numbers = #tpu.dot_dimension_numbers<[1], [0], [0], [1], [0, 0, 1, 1], [], []>, transpose_lhs_hint = false} : vector<512x64xf32>, vector<64x1xf32>, vector<512x1xf32> -> vector<512x1xf32>
    %get3A_99 = arith.constant 0 : index
    %get3A_100 = arith.constant 0 : index
    %get3A_101 = vector.load %arg16[%get3A_99, %get3A_100] : memref<1x1xf32, #tpu.memory_space<vmem>>, vector<1x1xf32>
    %get3A_102 = vector.extract %get3A_101[0, 0] : f32 from vector<1x1xf32>
    %add3A_103 = vector.broadcast %get3A_102 : f32 to vector<512x1xf32>
    %add3A_104 = arith.addf %dot_general3A_98, %add3A_103 : vector<512x1xf32>
    %add3A_105 = arith.addf %logistic3A_49, %add3A_104 : vector<512x1xf32>
    %mul3A_106 = arith.constant 5.000000e-01 : f32
    %mul3A_107 = vector.broadcast %mul3A_106 : f32 to vector<512x1xf32>
    %mul3A_108 = arith.mulf %mul3A_107, %add3A_105 : vector<512x1xf32>
    %logistic3A_109 = arith.negf %mul3A_108 : vector<512x1xf32>
    %logistic3A_110 = math.exp %logistic3A_109 : vector<512x1xf32>
    %logistic3A_111 = arith.constant 1.000000e+00 : f32
    %logistic3A_112 = vector.broadcast %logistic3A_111 : f32 to vector<512x1xf32>
    %logistic3A_113 = arith.addf %logistic3A_112, %logistic3A_110 : vector<512x1xf32>
    %logistic3A_114 = arith.divf %logistic3A_112, %logistic3A_113 : vector<512x1xf32>
    %swap3A = arith.constant 0 : index
    %swap3A_115 = arith.constant 0 : index
    %swap3A_116 = vector.load %arg17[%swap3A, %swap3A_115] : memref<512x1xf32, #tpu.memory_space<vmem>>, vector<512x1xf32>
    tpu.vector_store %arg17[%swap3A, %swap3A_115], %logistic3A_114 {strides = array<i32>} : memref<512x1xf32, #tpu.memory_space<vmem>>, vector<512x1xf32>,
    return
  }
  func.func @transform_0(%arg0: i32) -> (i32, i32) {
    %c0_i32 = arith.constant 0 : i32
    %c0_i32_0 = arith.constant 0 : i32
    return %arg0, %c0_i32 : i32, i32
  }
  func.func @transform_1(%arg0: i32) -> (i32, i32) {
    %c0_i32 = arith.constant 0 : i32
    %c0_i32_0 = arith.constant 0 : i32
    return %c0_i32, %arg0 : i32, i32
  }
  func.func @transform_2(%arg0: i32) -> (i32, i32) {
    %c0_i32 = arith.constant 0 : i32
    %c0_i32_0 = arith.constant 0 : i32
    %c0_i32_1 = arith.constant 0 : i32
    return %c0_i32, %c0_i32_0 : i32, i32
  }
  func.func @transform_3(%arg0: i32) -> (i32, i32) {
    %c0_i32 = arith.constant 0 : i32
    %c0_i32_0 = arith.constant 0 : i32
    %c0_i32_1 = arith.constant 0 : i32
    return %c0_i32, %c0_i32_0 : i32, i32
  }
  func.func @transform_4(%arg0: i32) -> (i32, i32) {
    %c0_i32 = arith.constant 0 : i32
    %c0_i32_0 = arith.constant 0 : i32
    %c0_i32_1 = arith.constant 0 : i32
    return %c0_i32, %c0_i32_0 : i32, i32
  }
  func.func @transform_5(%arg0: i32) -> (i32, i32) {
    %c0_i32 = arith.constant 0 : i32
    %c0_i32_0 = arith.constant 0 : i32
    %c0_i32_1 = arith.constant 0 : i32
    return %c0_i32, %c0_i32_0 : i32, i32
  }
  func.func @transform_6(%arg0: i32) -> (i32, i32) {
    %c0_i32 = arith.constant 0 : i32
    %c0_i32_0 = arith.constant 0 : i32
    %c0_i32_1 = arith.constant 0 : i32
    return %c0_i32, %c0_i32_0 : i32, i32
  }
  func.func @transform_7(%arg0: i32) -> (i32, i32) {
    %c0_i32 = arith.constant 0 : i32
    %c0_i32_0 = arith.constant 0 : i32
    %c0_i32_1 = arith.constant 0 : i32
    return %c0_i32, %c0_i32_0 : i32, i32
  }
  func.func @transform_8(%arg0: i32) -> (i32, i32) {
    %c0_i32 = arith.constant 0 : i32
    %c0_i32_0 = arith.constant 0 : i32
    %c0_i32_1 = arith.constant 0 : i32
    return %c0_i32, %c0_i32_0 : i32, i32
  }
  func.func @transform_9(%arg0: i32) -> (i32, i32) {
    %c0_i32 = arith.constant 0 : i32
    %c0_i32_0 = arith.constant 0 : i32
    %c0_i32_1 = arith.constant 0 : i32
    return %c0_i32, %c0_i32_0 : i32, i32
  }
  func.func @transform_10(%arg0: i32) -> (i32, i32) {
    %c0_i32 = arith.constant 0 : i32
    %c0_i32_0 = arith.constant 0 : i32
    %c0_i32_1 = arith.constant 0 : i32
    return %c0_i32, %c0_i32_0 : i32, i32
  }
  func.func @transform_11(%arg0: i32) -> (i32, i32) {
    %c0_i32 = arith.constant 0 : i32
    %c0_i32_0 = arith.constant 0 : i32
    %c0_i32_1 = arith.constant 0 : i32
    return %c0_i32, %c0_i32_0 : i32, i32
  }
  func.func @transform_12(%arg0: i32) -> (i32, i32) {
    %c0_i32 = arith.constant 0 : i32
    %c0_i32_0 = arith.constant 0 : i32
    %c0_i32_1 = arith.constant 0 : i32
    return %c0_i32, %c0_i32_0 : i32, i32
  }
  func.func @transform_13(%arg0: i32) -> (i32, i32) {
    %c0_i32 = arith.constant 0 : i32
    %c0_i32_0 = arith.constant 0 : i32
    %c0_i32_1 = arith.constant 0 : i32
    return %c0_i32, %c0_i32_0 : i32, i32
  }
  func.func @transform_14(%arg0: i32) -> (i32, i32) {
    %c0_i32 = arith.constant 0 : i32
    %c0_i32_0 = arith.constant 0 : i32
    %c0_i32_1 = arith.constant 0 : i32
    return %c0_i32, %c0_i32_0 : i32, i32
  }
  func.func @transform_15(%arg0: i32) -> (i32, i32) {
    %c0_i32 = arith.constant 0 : i32
    %c0_i32_0 = arith.constant 0 : i32
    %c0_i32_1 = arith.constant 0 : i32
    return %c0_i32, %c0_i32_0 : i32, i32
  }
  func.func @transform_16(%arg0: i32) -> (i32, i32) {
    %c0_i32 = arith.constant 0 : i32
    %c0_i32_0 = arith.constant 0 : i32
    return %arg0, %c0_i32 : i32, i32
  }
}

</mosaic_0001>

<sc_bundles>
// kernel: kernel.4.cloned.1.call-start
scs
__scs_entry_jumppad:
0x0: {  	(pc) =	sbr.rel $0x88, $3  }
0x1: {  	(tag) =	ssettag $0x0;
	lr =	simm.s32 $0x1  }
0x2: {  	[smem:$0x3F94] =	sst lr;
	_ =	strace $0xD0000000  }
0x3: {  	_ = 	snop  }
0x4: {  	_ = 	snop  }
0x5: {  	_ = 	snop  }
0x6: {  	_ = 	snop  }
0x7: {  	_ = 	snop  }
__scs_overlays_trampoline_lowered:
0x8: {  	[smem:$0x3FA3] =	sst s0  }
0x9: {  	[smem:$0x3FA4] =	sst s1  }
0xa: {  	[smem:$0x3FA5] =	sst s2  }
0xb: {  	[smem:$0x3FA6] =	sst s3  }
0xc: {  	[smem:$0x3FA7] =	sst s4  }
0xd: {  	[smem:$0x3FA8] =	sst s5  }
0xe: {  	[smem:$0x3FA9] =	sst s6  }
0xf: {  	[smem:$0x3FAA] =	sst s7  }
0x10: {  	[smem:$0x3FAB] =	sst s8  }
0x11: {  	[smem:$0x3FAC] =	sst s9;
	s0 =	simm.s32 @!p0 $0x0  }
0x12: {  	s1 =	sld [smem:$0x3F92];
	s0 =	simm.s32 @p0 $0x1  }
0x13: {  	[smem:$0x3FAD] =	sst s0;
	s0 =	simm.s32 @!p1 $0x0  }
0x14: {  	s2 =	sld [smem:$0x3F91];
	s0 =	simm.s32 @p1 $0x1  }
0x15: {  	[smem:$0x3FAE] =	sst s0;
	s0 =	simm.s32 @!p2 $0x0  }
0x16: {  	s3 =	sld [smem:$0x3FDB];
	s0 =	simm.s32 @p2 $0x1  }
0x17: {  	s4 =	simm.s32 $0x1BF5;
	[smem:$0x3FB0] =	sst s0  }
0x18: {  	s0 =	sld [smem:$0x3F93];
	_ =	swait.ge [sflag:s4], $0x0  }
0x19: {  	s7 =	sld [smem:$0x3F94]  }
0x1a: {  	s8 =	sadd.s32 $0xFFFFE003, lr  }
0x1b: {  	s9 =	sadd.s32 $0xFFFFFEF7, lr;
	s5 =	simm.s32 $0xFFFFFFFF;
	p2 =	slt.u32 s8, $0xFFFFF086  }
0x1c: {  	p1 =	slt.u32 s9, $0xF7A;
	s5 =	simm.s32 @!p2 $0x0  }
0x1d: {  	s5 =	simm.s32 @p1 $0x1;
	p0 =	seq.s32 s7, s2  }
0x1e: {  	s7 =	smul.u32 @!p0 $0xF7A, s2;
	p2 =	seq.s32 @!p0 s5, $0x0  }
0x1f: {  	s9 =	smul.u32 $0xF7A, s1;
	s8 =	simm.s32 @!p0 $0x1BF5;
	p2 =	por !p2, p0  }
0x20: {  	[sflag:s8] =	ssyncset.s32 @!p0 $0xFFFFF086;
	s6 =	sadd.s32 @!p0 s3, s7;
	s7 =	simm.s32 @!p0 $0x108  }
0x21: {  	s3 =	sadd.s32 s3, s9;
	s6 =	sadd.s32 @!p0 $0x88, s6;
	s7 =	simm.s32 @p2 $0x1082  }
0x22: {  	[simem:s7], [sflag:s8] =	dma.local @!p0 [hbm:s6], $0xF7A  }
0x23: {  	s9 =	sor.u32 $0xD0000000, s2;
	s6 =	simm.s32 $0x108;
	_ =	swait.ge @!p0 [sflag:s8], $0x0  }
0x24: {  	s3 =	sadd.s32 $0x88, s3;
	s6 =	simm.s32 @!p1 $0x1082;
	[sflag:s4] =	ssyncset.s32 $0xFFFFF086  }
0x25: {  	[simem:s6], [sflag:s4] =	dma.local [hbm:s3], $0xF7A  }
0x26: {  	[smem:$0x3F94] =	sst s1;
	(tag) =	ssettag s2;
	_ =	strace s9  }
0x27: {  	s1 =	sld [smem:$0x3FA4]  }
0x28: {  	s2 =	sld [smem:$0x3FA5]  }
0x29: {  	s4 =	sld [smem:$0x3FA7]  }
0x2a: {  	p0 =	seq.s32 s5, $0x0;
	s5 =	sld [smem:$0x3FA8]  }
0x2b: {  	s6 =	sld [smem:$0x3FA9]  }
0x2c: {  	s7 =	sld [smem:$0x3FAA]  }
0x2d: {  	s3 =	simm.s32 $0x108;
	s8 =	sld [smem:$0x3FAB]  }
0x2e: {  	s3 =	simm.s32 @!p0 $0x1082;
	s9 =	sld [smem:$0x3FAC]  }
0x2f: {  	lr =	sadd.s32 s0, s3;
	s0 =	sld [smem:$0x3FA3]  }
0x30: {  	s3 =	sld [smem:$0x3FA6]  }
0x31: {  	[smem:$0x3FAF] =	sst s10  }
0x32: {  	s10 =	sld [smem:$0x3FAD];
	_ =	sdelay $0x3  }
0x33: {  	p0 =	seq.s32 s10, $0x1;
	s10 =	sld [smem:$0x3FAF];
	_ =	sdelay $0x3  }
0x34: {  	[smem:$0x3FAF] =	sst s10  }
0x35: {  	s10 =	sld [smem:$0x3FAE];
	_ =	sdelay $0x3  }
0x36: {  	p1 =	seq.s32 s10, $0x1;
	s10 =	sld [smem:$0x3FAF];
	_ =	sdelay $0x3  }
0x37: {  	[smem:$0x3FAF] =	sst s10  }
0x38: {  	s10 =	sld [smem:$0x3FB0]  }
0x39: {  	_ = 	snop;
	(pc) =	sbr.ind lr, $3  }
0x3a: {  	_ = 	snop  }
0x3b: {  	_ = 	snop  }
0x3c: {  	p2 =	seq.s32 s10, $0x1;
	s10 =	sld [smem:$0x3FAF]  }
0x3d: {  	_ =	shalt  }
0x3e: {  	_ =	shalt  }
0x3f: {  	_ =	shalt  }
0x40: {  	_ =	shalt  }
0x41: {  	_ =	shalt  }
0x42: {  	_ =	shalt  }
0x43: {  	_ =	shalt  }
0x44: {  	_ =	shalt  }
0x45: {  	_ =	shalt  }
0x46: {  	_ =	shalt  }
0x47: {  	_ =	shalt  }
0x48: {  	_ =	shalt  }
0x49: {  	_ =	shalt  }
0x4a: {  	_ =	shalt  }
0x4b: {  	_ =	shalt  }
0x4c: {  	_ =	shalt  }
0x4d: {  	_ =	shalt  }
0x4e: {  	_ =	shalt  }
0x4f: {  	_ =	shalt  }
0x50: {  	_ =	shalt  }
0x51: {  	_ =	shalt  }
0x52: {  	_ =	shalt  }
0x53: {  	_ =	shalt  }
0x54: {  	_ =	shalt  }
0x55: {  	_ =	shalt  }
0x56: {  	_ =	shalt  }
0x57: {  	_ =	shalt  }
0x58: {  	_ =	shalt  }
0x59: {  	_ =	shalt  }
0x5a: {  	_ =	shalt  }
0x5b: {  	_ =	shalt  }
0x5c: {  	_ =	shalt  }
0x5d: {  	_ =	shalt  }
0x5e: {  	_ =	shalt  }
0x5f: {  	_ =	shalt  }
0x60: {  	_ =	shalt  }
0x61: {  	_ =	shalt  }
0x62: {  	_ =	shalt  }
0x63: {  	_ =	shalt  }
0x64: {  	_ =	shalt  }
0x65: {  	_ =	shalt  }
0x66: {  	_ =	shalt  }
0x67: {  	_ =	shalt  }
0x68: {  	_ =	shalt  }
0x69: {  	_ =	shalt  }
0x6a: {  	_ =	shalt  }
0x6b: {  	_ =	shalt  }
0x6c: {  	_ =	shalt  }
0x6d: {  	_ =	shalt  }
0x6e: {  	_ =	shalt  }
0x6f: {  	_ =	shalt  }
0x70: {  	_ =	shalt  }
0x71: {  	_ =	shalt  }
0x72: {  	_ =	shalt  }
0x73: {  	_ =	shalt  }
0x74: {  	_ =	shalt  }
0x75: {  	_ =	shalt  }
0x76: {  	_ =	shalt  }
0x77: {  	_ =	shalt  }
0x78: {  	_ =	shalt  }
0x79: {  	_ =	shalt  }
0x7a: {  	_ =	shalt  }
0x7b: {  	_ =	shalt  }
0x7c: {  	_ =	shalt  }
0x7d: {  	_ =	shalt  }
0x7e: {  	_ =	shalt  }
0x7f: {  	_ =	shalt  }
0x80: {  	_ =	shalt  }
0x81: {  	_ =	shalt  }
0x82: {  	_ =	shalt  }
0x83: {  	_ =	shalt  }
0x84: {  	_ =	shalt  }
0x85: {  	_ =	shalt  }
0x86: {  	_ =	shalt  }
0x87: {  	_ =	shalt  }
.Lfunc_end0:
.L_simem_size_0:
called_computation_lowered:
.L_overlay_start_0:
0x88: {  	s2 =	sld [smem:$0x3FD9]  }
0x89: {  	s3 =	sld [smem:$0x3FFE];
	_ =	sdelay $0x1  }
0x8a: {  	s1 =	srdreg.scid  }
0x8b: {  	s0 =	sand.u32 $0x1, s1  }
0x8c: {  	s17 =	sshll.u32 s0, $0xA;
	s2 =	sadd.s32 s3, s2  }
0x8d: {  	s2 =	sadd.s32 s2, s17  }
0x8e: {  	[smem:$0x3FBB] =	sst s2  }
0x8f: {  	_ = 	snop  }
0x90: {  	s2 =	sld [smem:$0x3FC8];
	(tm) =	ssettm $0x1  }
0x91: {  	s18 =	sld [smem:$0x3FFB];
	_ =	sdelay $0x3  }
0x92: {  	_ =	strace s18  }
0x93: {  	s3 =	sld [smem:$0x3FFC];
	_ =	sdelay $0x3  }
0x94: {  	_ =	strace s3  }
0x95: {  	s3 =	sld [smem:$0x3FFD];
	_ =	sdelay $0x3  }
0x96: {  	_ =	strace s3  }
0x97: {  	_ =	strace $0x8FFFFFFF  }
0x98: {  	s19 =	sld [smem:$0x3FDB];
	_ =	sdelay $0x1  }
0x99: {  	s4 =	simm.s32 $_scs_section_size  }
0x9a: {  	s5 =	simm.s32 $_size__tile_overlayer_lowered;
	s6 =	simm.s32 $_tile_overlayer_lowered  }
0x9b: {  	s22 =	simm.s32 $0x1BFF;
	s21 =	sshll.u32 s6, $0x1;
	s3 =	sadd.s32 s4, s19  }
0x9c: {  	s7 =	simm.s32 $0x0;
	s20 =	sshll.u32 s5, $0x1;
	s5 =	sadd.s32 s21, s3  }
0x9d: {  	[timem:s7], [sflag:s22] =	dma.local [hbm:s5], s20  }
0x9e: {  	_ =	swait.ge [sflag:s22], s20  }
0x9f: {  	s4 =	ssub.s32 $0x0, s20;
	[sflag:s22] =	ssyncset.done $0x0  }
0xa0: {  	[sflag:s22] =	ssyncadd.s32 s4;
	_ =	sdelay $0x1  }
0xa1: {  	s23 =	simm.s32 $0x1B8B  }
0xa2: {  	_ =	swait.ge [sflag:s23], $0x1  }
0xa3: {  	[sflag:s23] =	ssyncset.done $0x0  }
0xa4: {  	s25 =	simm.s32 $0x1B8E;
	s24 =	sld [smem:$0x3FFE];
	[sflag:s23] =	ssyncadd.s32 $0xFFFFFFFF  }
0xa5: {  	s26 =	simm.s32 $execute0_lowered;
	[smem:$0x3FD2] =	sst s25  }
0xa6: {  	s5 =	sshll.u32 s26, $0x1;
	_ =	strace $0x80000046;
	[dreg:$0x1] =	wrdreg $0xFFFFFFFF  }
0xa7: {  	s28 =	simm.s32 $_size_execute0_lowered;
	s3 =	sadd.s32 s3, s5;
	[dreg:$0x0] =	wrdreg $0x0  }
0xa8: {  	s5 =	sshll.u32 s28, $0x1;
	[dreg:$0x2] =	wrdreg s3  }
0xa9: {  	[dreg:$0x3] =	wrdreg s5  }
0xaa: {  	[dreg:$0x4] =	wrdreg $0xC0  }
0xab: {  	_ =	task [dreg:s7], $0x5FFFF  }
0xac: {  	[dreg:$0x1] =	wrdreg $0xFFFFFFFF  }
0xad: {  	[dreg:$0x0] =	wrdreg $0x60  }
0xae: {  	[dreg:$0x2] =	wrdreg s2  }
0xaf: {  	[dreg:$0x3] =	wrdreg s24  }
0xb0: {  	[dreg:$0x4] =	wrdreg $0x9  }
0xb1: {  	_ =	task.clear_ibuf [dreg:s7], $0x5FFFF;
	_ =	strace $0x90000046  }
0xb2: {  	s29 =	simm.s32 $0x9;
	_ =	strace $0x80000048  }
0xb3: {  	_ =	swait.ge [sflag:s29], $0x1  }
0xb4: {  	[sflag:s29] =	ssyncadd.s32 $0xFFFFFFFF  }
0xb5: {  	_ =	strace $0x90000048  }
0xb6: {  	_ =	sfence  }
0xb7: {  	s30 =	sld [smem:$0x0];
	_ =	sdelay $0x2  }
0xb8: {  	s31 =	sshll.u32 s1, $0xD;
	s1 =	sshrl.u32 s1, $0x2  }
0xb9: {  	s3 =	sand.u32 $0x4000, s31;
	s1 =	sadd.s32 s1, s30  }
0xba: {  	s0 =	sor.u32 s3, s0;
	s1 =	sshll.u32 s1, $0x11  }
0xbb: {  	s0 =	sor.u32 s1, s0  }
0xbc: {  	s0 =	sadd.s32 $0x8F2B, s0  }
0xbd: {  	[sflag:s0] =	ssyncadd.remote.s32 $0x1  }
0xbe: {  	_ =	sfence.sel $0xFFFF  }
0xbf: {  	[dreg:$0x0] =	wrdreg $0xFFFFFFFF;
	(pc) =	sbr.abs _section_cstart, $3  }
0xc0: {  	[dreg:$0x1] =	wrdreg $0xFFFFFFFF  }
0xc1: {  	_ =	task.clear_ibuf [dreg:s7], $0x2FFFF;
	_ =	strace $0x9FFFFFFF  }
0xc2: {  	(tm) =	ssettm $0x7FFFFFFF  }
0xc3: {  	_ =	shalt  }
tec
execute0_lowered:
.L_overlay_start_1:
0x0: {  	(tag) =	ssettag $0x1  }
0x1: {  	s1 =	stileid.u32  }
0x2: {  	p0 =	sgt.u32 s1, $0xC  }
.Ltmp0:
0x3: {  	_ = 	snop;
	(pc) =	sbr.rel @p0 .LBB2_34-.Ltmp0, $4  }
0x4: {  	_ = 	snop  }
0x5: {  	s2 =	rddreg [dreg:$0x0];
	s3 =	simm.s32 $0x0  }
0x6: {  	[smem:$0x7FF] =	sst s3  }
0x7: {  	s0 =	rddreg [dreg:$0x1];
	_ =	strace $0x80000047  }
0x8: {  	s1 =	srdreg.scid;
	s9 =	stileid.u32;
	s8 =	sadd.s32 $0x2C00, s0  }
0x9: {  	s11 =	simm.s32 $0x400;
	s12 =	simm.s32 $0x10800;
	s13 =	simm.s32 $0x3  }
0xa: {  	s14 =	simm.s32 $0x13800;
	s15 =	simm.s32 $0x2;
	s16 =	simm.s32 $0x11800  }
0xb: {  	s17 =	simm.s32 $0x8400;
	s18 =	simm.s32 $0x15E00;
	s19 =	simm.s32 $0x1  }
0xc: {  	s20 =	simm.s32 $0x0;
	s1 =	sand.u32 $0x1, s1;
	s4 =	sshll.u32 s9, $0x1  }
0xd: {  	s9 =	sshll.u32 s9, $0xA;
	s7 =	sor.u32 s1, s4;
	s1 =	ssub.s32 $0x2, s1  }
0xe: {  	s9 =	sand.u32 $0x3000, s9;
	s4 =	sshll.u32 s7, $0x6;
	s6 =	smul.u32 $0x30E00, s7  }
.Ltmp1:
0xf: {  	s5 =	sshll.u32 s7, $0xD;
	s10 =	sshrl.u32 s1, $0x1;
	(pc) =	sbr.rel .LBB2_2-.Ltmp1, $4  }
0x10: {  	s8 =	sadd.s32 s8, s9;
	s4 =	sadd.s32 s4, s0;
	s29 =	sadd.s32 s5, s0  }
0x11: {  	s5 =	sadd.s32 s2, s6;
	s6 =	sshll.u32 s7, $0x1;
	s7 =	sshll.u32 s7, $0x4  }
0x12: {  	s31 =	ssub.s32 s1, s10;
	s4 =	sadd.s32 $0x2400, s4;
	s30 =	sand.u32 $0x70, s7  }
0x13: {  	v0 =	vlaneseq.u32;
	s9 =	smax.u32 s31, $0x1;
	s7 =	sadd.s32 $0x6C00, s29;
	s8 =	sadd.s32 s30, s8  }
.LBB2_33:
0x14: {  	s20 =	sadd.s32 $0x1, s20  }
0x15: {  	p0 =	sne.s32 s20, s9  }
.Ltmp2:
0x16: {  	_ = 	snop;
	(pc) =	sbr.rel @!p0 .LBB2_34-.Ltmp2, $1  }
0x17: {  	_ =	sdelay $0x3  }
.LBB2_2:
0x18: {  	s0 =	simm.s32 $0x80  }
0x19: {  	[tilespmem:s12], [sflag:$0x3] =	stream.strided.gather [hbm4b:s8+s0], $0x1000, s11, s0, $0x38;
	[tilespmem:$0x1DE00] =	vst v63  }
0x1a: {  	_ =	swait.ge [sflag:s13], $0x1000  }
0x1b: {  	[sflag:s13] =	ssyncset.done $0x0  }
0x1c: {  	s31 =	simm.s32 $0x0;
	[sflag:s13] =	ssyncadd.s32 $0xFFFFF000  }
0x1d: {  	[tilespmem:s14], [sflag:$0x3] =	stream.linear.gather [hbm4b:s4+s31], $0x200, $0x38;
	[tilespmem:$0x1DE00] =	vst v63  }
0x1e: {  	_ =	swait.ge [sflag:s13], $0x200  }
0x1f: {  	[sflag:s13] =	ssyncset.done $0x0  }
0x20: {  	s0 =	simm.s32 $0x0;
	[sflag:s13] =	ssyncadd.s32 $0xFFFFFE00  }
0x21: {  	v1 =	vld [tilespmem:s0+$0x10800];
	_ =	sdelay $0x4  }
0x22: {  	s21 =	simm.s32 $0x10;
	v1 =	vtrunc.f32 v1  }
0x23: {  	v2 =	vcvt.f32.s32 v1;
	v1 =	vld [tilespmem:s21+$0x10800];
	_ =	sdelay $0x1  }
0x24: {  	v3 =	vshra.s32 v2, $0x7  }
0x25: {  	s22 =	simm.s32 $0x80;
	[tilespmem:s0+$0x11800] =	vst v2;
	v2 =	vmul.u32 $0x7C2, v3  }
.LBB2_3:
0x26: {  	p0 =	sne.s32 s22, $0x3FC0  }
.Ltmp3:
0x27: {  	s1 =	sshra.s32 s22, $0x2;
	s22 =	sadd.s32 $0x40, s22;
	v3 =	vtrunc.f32 v1;
	v2 =	vshra.s32 v2, $0x10;
	(pc) =	sbr.rel @p0 .LBB2_3-.Ltmp3, $4  }
0x28: {  	v1 =	vld [tilespmem:s1+$0x10800];
	v3 =	vcvt.f32.s32 v3;
	vm0 =	vlt.s32 v2, $0x17  }
0x29: {  	v2 =	vnsel vm0, $0x17, v2  }
0x2a: {  	v4 =	vshra.s32 v3, $0x7;
	[tilespmem:s0+$0x12800] =	vst v2;
	s0 =	smov.u32 s21;
	s21 =	smov.u32 s1  }
0x2b: {  	[tilespmem:s0+$0x11800] =	vst v3;
	v2 =	vmul.u32 $0x7C2, v4  }
0x2c: {  	_ = 	snop  }
0x2d: {  	v1 =	vtrunc.f32 v1  }
0x2e: {  	v1 =	vcvt.f32.s32 v1;
	_ =	sdelay $0x1  }
0x2f: {  	v3 =	vshra.s32 v1, $0x7  }
0x30: {  	v2 =	vshra.s32 v2, $0x10;
	v3 =	vmul.u32 $0x7C2, v3  }
0x31: {  	vm0 =	vlt.s32 v2, $0x17  }
0x32: {  	v2 =	vnsel vm0, $0x17, v2;
	v3 =	vshra.s32 v3, $0x10  }
0x33: {  	[tilespmem:s0+$0x12800] =	vst v2;
	vm15 =	vlt.s32 v3, $0x17  }
0x34: {  	[tilespmem:s21+$0x11800] =	vst v1;
	v1 =	vnsel vm15, $0x17, v3  }
0x35: {  	s0 =	simm.s32 $0x0;
	[tilespmem:s21+$0x12800] =	vst v1;
	s21 =	simm.s32 $0x0  }
0x36: {  	[tilespmem:s0], [sflag:$0x1] =	stream.linear.gather [hbm4b:s5+s0], $0x8400, $0x38;
	[tilespmem:$0x1DE00] =	vst v63  }
.LBB2_5:
0x37: {  	s10 =	simm.s32 $0x12800  }
0x38: {  	v2 =	vld [tilespmem:s10+$0x0];
	_ =	sdelay $0x3  }
0x39: {  	v1 =	vmov s21  }
0x3a: {  	vm0 =	veq.s32 v2, v1  }
0x3b: {  	v2 =	vmpcnt.ones.xlane vm0  }
0x3c: {  	s1 =	sshrl.u32 s21, $0x3  }
0x3d: {  	s1 =	smul.u32 $0x3000, s1;
	(v2sf) =	vpush v2, $0x0  }
0x3e: {  	s28 =	sshll.u32 s21, $0x7  }
0x3f: {  	s10 =	sand.u32 $0x380, s28;
	s1 =	sshra.s32 s1, $0x2  }
0x40: {  	s29 =	simm.s32 $0x0;
	s1 =	sor.u32 s10, s1  }
0x41: {  	s30 =	sand.u32 $0xFFFFFC00, s29;
	s22 =	sadd.s32 $0x13A00, s1  }
0x42: {  	s31 =	sand.u32 $0x7F, s0;
	s1 =	sadd.s32 s30, s22  }
0x43: {  	v3 =	vor.u32 s0, v0;
	s1 =	sadd.s32 s31, s1  }
0x44: {  	s25 =	simm.s32 $0x12810;
	[tilespmem:s1+$0x0] =	vst.msk vm0, v3  }
0x45: {  	s23 =	simm.s32 $0x10;
	s26 =	simm.s32 $0x20;
	s24 =	simm.s32 $0x0;
	v2 =	vld [tilespmem:s25+$0x0]  }
.LBB2_6:
0x46: {  	p0 =	sne.s32 s26, $0xFF0;
	_ =	sdelay $0x3  }
0x47: {  	vm0 =	veq.s32 v2, v1  }
0x48: {  	v2 =	vmpcnt.ones.xlane vm0  }
0x49: {  	s1 =	spop (v2sf)  }
0x4a: {  	(v2sf) =	vpush v2, $0x0;
	s24 =	sadd.s32 s24, s1  }
0x4b: {  	s1 =	sshll.u32 s24, $0x3  }
0x4c: {  	s1 =	sand.u32 $0xFFFFFC00, s1  }
0x4d: {  	s10 =	sand.u32 $0x7F, s24;
	s1 =	sadd.s32 s1, s22  }
.Ltmp4:
0x4e: {  	v2 =	vor.u32 s23, v0;
	s23 =	smov.u32 s26;
	s1 =	sadd.s32 s10, s1;
	(pc) =	sbr.rel @p0 .LBB2_6-.Ltmp4, $3  }
0x4f: {  	[tilespmem:s1+$0x0] =	vst.msk vm0, v2;
	_ =	sdelay $0x1  }
0x50: {  	s25 =	sadd.s32 $0x10, s25  }
0x51: {  	s26 =	sadd.s32 $0x10, s26;
	v2 =	vld [tilespmem:s25+$0x0]  }
0x52: {  	_ =	sdelay $0x3  }
0x53: {  	vm0 =	veq.s32 v2, v1  }
0x54: {  	v1 =	vmpcnt.ones.xlane vm0;
	_ =	sdelay $0x1  }
0x55: {  	(v2sf) =	vpush v1, $0x0;
	_ =	sdelay $0xd  }
0x56: {  	s1 =	spop (v2sf)  }
0x57: {  	s1 =	sadd.s32 s24, s1;
	s10 =	spop (v2sf)  }
0x58: {  	s10 =	sadd.s32 s1, s10  }
0x59: {  	[smem:s21+$0x4] =	sst s10;
	s21 =	sadd.s32 $0x1, s21  }
0x5a: {  	p0 =	sne.s32 s21, $0x18  }
.Ltmp5:
0x5b: {  	s24 =	sshll.u32 s1, $0x3;
	(pc) =	sbr.rel @p0 .LBB2_5-.Ltmp5, $4  }
0x5c: {  	s24 =	sand.u32 $0xFFFFFC00, s24  }
0x5d: {  	s31 =	sadd.s32 s24, s22;
	s1 =	sand.u32 $0x7F, s1  }
0x5e: {  	v1 =	vor.u32 s23, v0;
	s1 =	sadd.s32 s1, s31  }
0x5f: {  	[tilespmem:s1+$0x0] =	vst.msk vm0, v1  }
.Ltmp6:
0x60: {  	(pc) =	sbr.rel .LBB2_9-.Ltmp6, $2  }
0x61: {  	_ =	sdelay $0x2  }
0x62: {  	s23 =	simm.s32 $0x0  }
.LBB2_31:
0x63: {  	s0 =	simm.s32 $0x1000  }
0x64: {  	s0 =	simm.s32 @!p0 $0x0  }
0x65: {  	s0 =	sadd.s32 s0, s7  }
0x66: {  	[hbm4b:s0+s3] =	stream.linear.scatter [tilespmem:s18], [sflag:$0x3], $0x8000, $0x38;
	[tilespmem:$0x1DE00] =	vst v63  }
0x67: {  	_ =	swait.ge [sflag:s13], $0x8000  }
0x68: {  	[sflag:s13] =	ssyncset.done $0x0  }
0x69: {  	[sflag:s13] =	ssyncadd.s32 $0xFFFF8000  }
.LBB2_32:
0x6a: {  	p0 =	sne.s32 s21, $0x30  }
.Ltmp7:
0x6b: {  	_ = 	snop;
	(pc) =	sbr.rel @!p0 .LBB2_33-.Ltmp7, $2  }
0x6c: {  	_ =	sdelay $0x2  }
0x6d: {  	s23 =	smov.u32 s21  }
.LBB2_9:
0x6e: {  	p0 =	seq.s32 s23, $0x2F  }
.Ltmp8:
0x6f: {  	_ = 	snop;
	(pc) =	sbr.rel @p0 .LBB2_13-.Ltmp8, $2  }
0x70: {  	_ =	sdelay $0x2  }
0x71: {  	s21 =	sadd.s32 $0x1, s23  }
0x72: {  	s0 =	sand.u32 $0x1, s21  }
0x73: {  	p0 =	seq.s32 s0, $0x0  }
.Ltmp9:
0x74: {  	_ = 	snop;
	(pc) =	sbr.rel @!p0 .LBB2_12-.Ltmp9, $2  }
0x75: {  	_ =	sdelay $0x2  }
0x76: {  	s0 =	sadd.s32 $0xFFFFFFE9, s23  }
0x77: {  	p1 =	slt.u32 s23, $0x17;
	s10 =	smov.u32 s0  }
0x78: {  	p0 =	sgt.u32 s23, $0x16;
	s1 =	simm.s32 $0x1;
	s10 =	smov.u32 @p1 s21  }
0x79: {  	s1 =	simm.s32 @!p0 $0x0;
	s22 =	smul.u32 $0x8400, s10  }
0x7a: {  	s31 =	sand.u32 $0x1, s23;
	s1 =	sor.u32 s1, s6;
	p0 =	seq.s32 s10, $0x17  }
0x7b: {  	s1 =	smul.u32 $0xC3800, s1;
	s22 =	simm.s32 @p0 $0xBB000;
	p0 =	seq.s32 s31, $0x1  }
.Ltmp10:
0x7c: {  	_ = 	snop;
	(pc) =	sbr.rel @p0 .LBB2_13-.Ltmp10, $4  }
0x7d: {  	s1 =	sadd.s32 s22, s1  }
0x7e: {  	s1 =	sshrl.u32 s1, $0x3  }
0x7f: {  	s1 =	sadd.s32 s2, s1  }
0x80: {  	[tilespmem:s3], [sflag:$0x1] =	stream.linear.gather [hbm4b:s1+s3], $0x8400, $0x38;
	[tilespmem:$0x1DE00] =	vst v63  }
.LBB2_12:
0x81: {  	p0 =	sgt.u32 s23, $0x16;
	s1 =	simm.s32 $0x1;
	p1 =	slt.u32 s23, $0x17  }
0x82: {  	s1 =	simm.s32 @!p0 $0x0;
	s0 =	smov.u32 @p1 s21  }
0x83: {  	s1 =	sor.u32 s1, s6;
	s10 =	smul.u32 $0x8400, s0  }
0x84: {  	p0 =	seq.s32 s0, $0x17;
	s1 =	smul.u32 $0xC3800, s1  }
0x85: {  	s10 =	simm.s32 @p0 $0xBB000  }
0x86: {  	s31 =	sadd.s32 s10, s1  }
0x87: {  	s0 =	sshrl.u32 s31, $0x3  }
0x88: {  	s0 =	sadd.s32 s2, s0  }
0x89: {  	[tilespmem:s17], [sflag:$0x2] =	stream.linear.gather [hbm4b:s0+s3], $0x8400, $0x38;
	[tilespmem:$0x1DE00] =	vst v63  }
.LBB2_13:
0x8a: {  	s0 =	sadd.s32 $0xFFFFFFE8, s23;
	s28 =	sand.u32 $0x1, s23  }
0x8b: {  	s25 =	smin.u32 s23, s0;
	p1 =	seq.s32 s28, $0x1  }
.Ltmp11:
0x8c: {  	s24 =	sld [smem:s25+$0x4];
	(pc) =	sbr.rel @p1 .LBB2_21-.Ltmp11, $4  }
0x8d: {  	_ = 	snop  }
0x8e: {  	s26 =	smul.u32 $0x1080, s25  }
0x8f: {  	p0 =	seq.s32 s25, $0x17;
	s31 =	sadd.s32 $0xF, s24  }
0x90: {  	s26 =	simm.s32 @p0 $0x17600;
	s22 =	sshra.s32 s31, $0x4  }
0x91: {  	p0 =	slt.s32 s22, $0x1  }
.Ltmp12:
0x92: {  	_ = 	snop;
	(pc) =	sbr.rel @p0 .LBB2_20-.Ltmp12, $4  }
0x93: {  	_ = 	snop  }
0x94: {  	_ =	swait.ge [sflag:s19], $0x8400  }
0x95: {  	[sflag:s19] =	ssyncset.done $0x0  }
0x96: {  	[sflag:s19] =	ssyncadd.s32 $0xFFFF7C00  }
0x97: {  	s0 =	sshrl.u32 s25, $0x3  }
0x98: {  	p1 =	sne.s32 s22, $0x1;
	s0 =	smul.u32 $0x3000, s0  }
.Ltmp13:
0x99: {  	s1 =	sshll.u32 s25, $0x7;
	(pc) =	sbr.rel @!p1 .LBB2_16-.Ltmp13, $4  }
0x9a: {  	s1 =	sand.u32 $0x300, s1;
	s0 =	sshra.s32 s0, $0x2  }
0x9b: {  	s30 =	simm.s32 $0x0;
	s0 =	sor.u32 s1, s0  }
0x9c: {  	p0 =	por $0x0, $0x0;
	s10 =	sand.u32 $0xFFFFFC00, s30;
	s29 =	sadd.s32 $0x13A00, s0  }
0x9d: {  	v1 =	vmov s24;
	v2 =	vmov s26;
	s1 =	sand.u32 $0x70, s30;
	s0 =	sadd.s32 $0xFFFFFFFF, s22;
	s10 =	sadd.s32 s10, s29  }
0x9e: {  	s1 =	sadd.s32 s1, s10  }
0x9f: {  	v3 =	vld [tilespmem:s1+$0x0];
	_ =	sdelay $0x4  }
0xa0: {  	v4 =	vand.u32 $0xFFF, v3;
	_ =	sdelay $0x4  }
0xa1: {  	v4 =	vld.idx.msk [tilespmem:v4+s16+$0x0], $0xffff;
	_ =	sdelay $0x4  }
0xa2: {  	v4 =	vsub.s32 v4, v2  }
0xa3: {  	vm0 =	vgt.s32 v4, $0x0  }
0xa4: {  	v4 =	vnsel vm0, $0x0, v4  }
0xa5: {  	v4 =	vmin.u32 v4, $0x107F  }
0xa6: {  	v5 =	vshll.u32 v4, $0x3  }
0xa7: {  	v4 =	vand.u32 $0x7F, v4;
	v5 =	vand.u32 $0xFC00, v5  }
0xa8: {  	v4 =	vor.u32 v4, v5;
	_ =	sdelay $0x2  }
0xa9: {  	v6 =	vor.u32 s30, v0;
	v5 =	vshll.u32 v3, $0x3  }
0xaa: {  	vm0 =	vlt.s32 v6, v1;
	v3 =	vand.u32 $0x7F, v3;
	v5 =	vand.u32 $0x7C00, v5  }
0xab: {  	v5 =	vor.u32 v3, v5;
	v6 =	vld.idx.msk [tilespmem:v4+s3+$0x0], $0xffff  }
0xac: {  	v3 =	vor.u32 $0x80, v4;
	_ =	sdelay $0x3  }
0xad: {  	[tilespmem:v5+s18+$0x0] =	vst.idx.msk vm0, v6  }
0xae: {  	v6 =	vor.u32 $0x80, v5;
	v3 =	vld.idx.msk [tilespmem:v3+s3+$0x0], $0xffff  }
0xaf: {  	v7 =	vor.u32 $0x100, v4;
	_ =	sdelay $0x3  }
0xb0: {  	[tilespmem:v6+s18+$0x0] =	vst.idx.msk vm0, v3  }
0xb1: {  	v6 =	vor.u32 $0x100, v5;
	v3 =	vld.idx.msk [tilespmem:v7+s3+$0x0], $0xffff  }
0xb2: {  	v7 =	vor.u32 $0x180, v4;
	_ =	sdelay $0x3  }
0xb3: {  	[tilespmem:v6+s18+$0x0] =	vst.idx.msk vm0, v3  }
0xb4: {  	v6 =	vor.u32 $0x180, v5;
	v3 =	vld.idx.msk [tilespmem:v7+s3+$0x0], $0xffff  }
0xb5: {  	v7 =	vor.u32 $0x200, v4;
	_ =	sdelay $0x3  }
0xb6: {  	[tilespmem:v6+s18+$0x0] =	vst.idx.msk vm0, v3  }
0xb7: {  	v6 =	vor.u32 $0x200, v5;
	v3 =	vld.idx.msk [tilespmem:v7+s3+$0x0], $0xffff  }
0xb8: {  	v7 =	vor.u32 $0x280, v4;
	_ =	sdelay $0x3  }
0xb9: {  	[tilespmem:v6+s18+$0x0] =	vst.idx.msk vm0, v3  }
0xba: {  	v6 =	vor.u32 $0x280, v5;
	v3 =	vld.idx.msk [tilespmem:v7+s3+$0x0], $0xffff  }
0xbb: {  	v7 =	vor.u32 $0x300, v4;
	_ =	sdelay $0x3  }
0xbc: {  	[tilespmem:v6+s18+$0x0] =	vst.idx.msk vm0, v3  }
0xbd: {  	v6 =	vor.u32 $0x300, v5;
	v3 =	vld.idx.msk [tilespmem:v7+s3+$0x0], $0xffff  }
0xbe: {  	v4 =	vor.u32 $0x380, v4;
	_ =	sdelay $0x3  }
0xbf: {  	p1 =	sne.s32 s0, $0x1;
	[tilespmem:v6+s18+$0x0] =	vst.idx.msk vm0, v3  }
.Ltmp14:
0xc0: {  	v3 =	vld.idx.msk [tilespmem:v4+s3+$0x0], $0xffff;
	v4 =	vor.u32 $0x380, v5;
	(pc) =	sbr.rel @!p1 .LBB2_19-.Ltmp14, $4  }
0xc1: {  	_ = 	snop  }
0xc2: {  	s31 =	simm.s32 $0x80  }
0xc3: {  	s0 =	sadd.s32 $0xFFFFFFFF, s0;
	s30 =	simm.s32 $0x10;
	s10 =	sand.u32 $0xFFFFFC00, s31  }
0xc4: {  	p0 =	por $0x1, $0x1;
	s1 =	sand.u32 $0x70, s30;
	s10 =	sadd.s32 s10, s29  }
.LBB2_18:
0xc5: {  	p1 =	sne.s32 s0, $0x1;
	s0 =	sadd.s32 $0xFFFFFFFF, s0;
	s1 =	sadd.s32 s1, s10;
	[tilespmem:v4+s18+$0x0] =	vst.idx.msk vm0, v3  }
0xc6: {  	v3 =	vld [tilespmem:s1+$0x0];
	_ =	sdelay $0x4  }
0xc7: {  	v4 =	vand.u32 $0xFFF, v3;
	v5 =	vshll.u32 v3, $0x3  }
0xc8: {  	v5 =	vand.u32 $0x7C00, v5;
	_ =	sdelay $0x3  }
0xc9: {  	v4 =	vld.idx.msk [tilespmem:v4+s16+$0x0], $0xffff;
	_ =	sdelay $0x5  }
0xca: {  	v4 =	vsub.s32 v4, v2  }
0xcb: {  	vm0 =	vgt.s32 v4, $0x0  }
0xcc: {  	v4 =	vnsel vm0, $0x0, v4  }
0xcd: {  	v4 =	vmin.u32 v4, $0x107F  }
0xce: {  	v6 =	vshll.u32 v4, $0x3  }
0xcf: {  	v4 =	vand.u32 $0x7F, v4;
	v6 =	vand.u32 $0xFC00, v6  }
0xd0: {  	v4 =	vor.u32 v4, v6;
	_ =	sdelay $0x3  }
0xd1: {  	v6 =	vor.u32 s30, v0  }
0xd2: {  	v3 =	vand.u32 $0x7F, v3;
	vm0 =	vlt.s32 v6, v1;
	v6 =	vld.idx.msk [tilespmem:v4+s3+$0x0], $0xffff  }
0xd3: {  	v5 =	vor.u32 v3, v5  }
0xd4: {  	v3 =	vor.u32 $0x80, v4;
	_ =	sdelay $0x3  }
0xd5: {  	[tilespmem:v5+s18+$0x0] =	vst.idx.msk vm0, v6  }
0xd6: {  	v3 =	vld.idx.msk [tilespmem:v3+s3+$0x0], $0xffff  }
0xd7: {  	v6 =	vor.u32 $0x80, v5  }
0xd8: {  	v7 =	vor.u32 $0x100, v4;
	_ =	sdelay $0x3  }
0xd9: {  	[tilespmem:v6+s18+$0x0] =	vst.idx.msk vm0, v3  }
0xda: {  	v3 =	vld.idx.msk [tilespmem:v7+s3+$0x0], $0xffff  }
0xdb: {  	v6 =	vor.u32 $0x100, v5  }
0xdc: {  	v7 =	vor.u32 $0x180, v4;
	_ =	sdelay $0x3  }
0xdd: {  	[tilespmem:v6+s18+$0x0] =	vst.idx.msk vm0, v3  }
0xde: {  	v3 =	vld.idx.msk [tilespmem:v7+s3+$0x0], $0xffff  }
0xdf: {  	v6 =	vor.u32 $0x180, v5  }
0xe0: {  	v7 =	vor.u32 $0x200, v4;
	_ =	sdelay $0x3  }
0xe1: {  	[tilespmem:v6+s18+$0x0] =	vst.idx.msk vm0, v3  }
0xe2: {  	v3 =	vld.idx.msk [tilespmem:v7+s3+$0x0], $0xffff  }
0xe3: {  	v6 =	vor.u32 $0x200, v5  }
0xe4: {  	v7 =	vor.u32 $0x280, v4;
	_ =	sdelay $0x3  }
0xe5: {  	[tilespmem:v6+s18+$0x0] =	vst.idx.msk vm0, v3  }
0xe6: {  	v3 =	vld.idx.msk [tilespmem:v7+s3+$0x0], $0xffff  }
0xe7: {  	v6 =	vor.u32 $0x280, v5  }
0xe8: {  	v7 =	vor.u32 $0x300, v4;
	_ =	sdelay $0x3  }
0xe9: {  	[tilespmem:v6+s18+$0x0] =	vst.idx.msk vm0, v3  }
0xea: {  	v3 =	vld.idx.msk [tilespmem:v7+s3+$0x0], $0xffff  }
0xeb: {  	v6 =	vor.u32 $0x300, v5  }
0xec: {  	v4 =	vor.u32 $0x380, v4;
	_ =	sdelay $0x3  }
0xed: {  	[tilespmem:v6+s18+$0x0] =	vst.idx.msk vm0, v3  }
0xee: {  	v3 =	vld.idx.msk [tilespmem:v4+s3+$0x0], $0xffff  }
.Ltmp15:
0xef: {  	v4 =	vor.u32 $0x380, v5;
	(pc) =	sbr.rel @p1 .LBB2_18-.Ltmp15, $4  }
0xf0: {  	_ = 	snop  }
0xf1: {  	s31 =	sadd.s32 $0x80, s31  }
0xf2: {  	s10 =	sand.u32 $0xFFFFFC00, s31;
	s30 =	sadd.s32 $0x10, s30  }
0xf3: {  	s10 =	sadd.s32 s10, s29;
	s1 =	sand.u32 $0x70, s30  }
.LBB2_19:
0xf4: {  	_ =	sdelay $0x4  }
0xf5: {  	s0 =	sadd.s32 s1, s10;
	[tilespmem:v4+s18+$0x0] =	vst.idx.msk @p0 vm0, v3  }
0xf6: {  	v3 =	vld [tilespmem:s0+$0x0];
	_ =	sdelay $0x4  }
0xf7: {  	v49 =	vand.u32 $0xFFF, v3;
	_ =	sdelay $0x4  }
0xf8: {  	v4 =	vld.idx.msk [tilespmem:v49+s16+$0x0], $0xffff;
	_ =	sdelay $0x4  }
0xf9: {  	v2 =	vsub.s32 v4, v2  }
0xfa: {  	vm14 =	vgt.s32 v2, $0x0  }
0xfb: {  	v2 =	vnsel vm14, $0x0, v2  }
0xfc: {  	v2 =	vmin.u32 v2, $0x107F  }
0xfd: {  	v50 =	vshll.u32 v2, $0x3  }
0xfe: {  	v2 =	vand.u32 $0x7F, v2;
	v4 =	vand.u32 $0xFC00, v50  }
0xff: {  	v2 =	vor.u32 v2, v4;
	_ =	sdelay $0x2  }
0x100: {  	v5 =	vor.u32 s30, v0;
	v51 =	vshll.u32 v3, $0x3  }
0x101: {  	vm15 =	vlt.s32 v5, v1;
	v1 =	vand.u32 $0x7F, v3;
	v4 =	vand.u32 $0x7C00, v51  }
0x102: {  	v1 =	vor.u32 v1, v4;
	v3 =	vld.idx.msk [tilespmem:v2+s3+$0x0], $0xffff  }
0x103: {  	v52 =	vor.u32 $0x80, v2;
	_ =	sdelay $0x3  }
0x104: {  	[tilespmem:v1+s18+$0x0] =	vst.idx.msk vm15, v3  }
0x105: {  	v53 =	vor.u32 $0x80, v1;
	v3 =	vld.idx.msk [tilespmem:v52+s3+$0x0], $0xffff  }
0x106: {  	v54 =	vor.u32 $0x100, v2;
	_ =	sdelay $0x3  }
0x107: {  	[tilespmem:v53+s18+$0x0] =	vst.idx.msk vm15, v3  }
0x108: {  	v55 =	vor.u32 $0x100, v1;
	v3 =	vld.idx.msk [tilespmem:v54+s3+$0x0], $0xffff  }
0x109: {  	v56 =	vor.u32 $0x180, v2;
	_ =	sdelay $0x3  }
0x10a: {  	[tilespmem:v55+s18+$0x0] =	vst.idx.msk vm15, v3  }
0x10b: {  	v57 =	vor.u32 $0x180, v1;
	v3 =	vld.idx.msk [tilespmem:v56+s3+$0x0], $0xffff  }
0x10c: {  	v58 =	vor.u32 $0x200, v2;
	_ =	sdelay $0x3  }
0x10d: {  	[tilespmem:v57+s18+$0x0] =	vst.idx.msk vm15, v3  }
0x10e: {  	v59 =	vor.u32 $0x200, v1;
	v3 =	vld.idx.msk [tilespmem:v58+s3+$0x0], $0xffff  }
0x10f: {  	v60 =	vor.u32 $0x280, v2;
	_ =	sdelay $0x3  }
0x110: {  	[tilespmem:v59+s18+$0x0] =	vst.idx.msk vm15, v3  }
0x111: {  	v61 =	vor.u32 $0x280, v1;
	v3 =	vld.idx.msk [tilespmem:v60+s3+$0x0], $0xffff  }
0x112: {  	v62 =	vor.u32 $0x300, v2;
	_ =	sdelay $0x3  }
0x113: {  	[tilespmem:v61+s18+$0x0] =	vst.idx.msk vm15, v3  }
0x114: {  	v63 =	vor.u32 $0x300, v1;
	v3 =	vld.idx.msk [tilespmem:v62+s3+$0x0], $0xffff  }
0x115: {  	v2 =	vor.u32 $0x380, v2;
	_ =	sdelay $0x3  }
0x116: {  	[tilespmem:v63+s18+$0x0] =	vst.idx.msk vm15, v3  }
0x117: {  	v1 =	vor.u32 $0x380, v1;
	v2 =	vld.idx.msk [tilespmem:v2+s3+$0x0], $0xffff;
	_ =	sdelay $0x4  }
0x118: {  	[tilespmem:v1+s18+$0x0] =	vst.idx.msk vm15, v2  }
.LBB2_20:
0x119: {  	p0 =	seq.s32 s28, $0x0  }
.Ltmp16:
0x11a: {  	_ = 	snop;
	(pc) =	sbr.rel @p0 .LBB2_27-.Ltmp16, $1  }
0x11b: {  	_ =	sdelay $0x3  }
.LBB2_21:
0x11c: {  	p0 =	slt.s32 s22, $0x1  }
.Ltmp17:
0x11d: {  	_ = 	snop;
	(pc) =	sbr.rel @p0 .LBB2_27-.Ltmp17, $4  }
0x11e: {  	_ = 	snop  }
0x11f: {  	_ =	swait.ge [sflag:s15], $0x8400  }
0x120: {  	[sflag:s15] =	ssyncset.done $0x0  }
0x121: {  	[sflag:s15] =	ssyncadd.s32 $0xFFFF7C00  }
0x122: {  	s0 =	sshrl.u32 s25, $0x3  }
0x123: {  	p1 =	sne.s32 s22, $0x1;
	s0 =	smul.u32 $0x3000, s0  }
.Ltmp18:
0x124: {  	s1 =	sshll.u32 s25, $0x7;
	(pc) =	sbr.rel @!p1 .LBB2_23-.Ltmp18, $4  }
0x125: {  	s1 =	sand.u32 $0x380, s1;
	s0 =	sshra.s32 s0, $0x2  }
0x126: {  	s29 =	simm.s32 $0x0;
	s0 =	sor.u32 s1, s0  }
0x127: {  	p0 =	por $0x0, $0x0;
	s10 =	sand.u32 $0xFFFFFC00, s29;
	s28 =	sadd.s32 $0x13A00, s0  }
0x128: {  	v1 =	vmov s24;
	v2 =	vmov s26;
	s1 =	sand.u32 $0x70, s29;
	s0 =	sadd.s32 $0xFFFFFFFF, s22;
	s10 =	sadd.s32 s10, s28  }
0x129: {  	s1 =	sadd.s32 s1, s10  }
0x12a: {  	v3 =	vld [tilespmem:s1+$0x0];
	_ =	sdelay $0x4  }
0x12b: {  	v4 =	vand.u32 $0xFFF, v3;
	_ =	sdelay $0x4  }
0x12c: {  	v4 =	vld.idx.msk [tilespmem:v4+s16+$0x0], $0xffff;
	_ =	sdelay $0x4  }
0x12d: {  	v4 =	vsub.s32 v4, v2  }
0x12e: {  	vm0 =	vgt.s32 v4, $0x0  }
0x12f: {  	v4 =	vnsel vm0, $0x0, v4  }
0x130: {  	v4 =	vmin.u32 v4, $0x107F  }
0x131: {  	v5 =	vshll.u32 v4, $0x3  }
0x132: {  	v4 =	vand.u32 $0x7F, v4;
	v5 =	vand.u32 $0xFC00, v5  }
0x133: {  	v4 =	vor.u32 v4, v5;
	_ =	sdelay $0x2  }
0x134: {  	v6 =	vor.u32 s29, v0;
	v5 =	vshll.u32 v3, $0x3  }
0x135: {  	vm0 =	vlt.s32 v6, v1;
	v3 =	vand.u32 $0x7F, v3;
	v5 =	vand.u32 $0x7C00, v5  }
0x136: {  	v5 =	vor.u32 v3, v5;
	v6 =	vld.idx.msk [tilespmem:v4+s17+$0x0], $0xffff  }
0x137: {  	v3 =	vor.u32 $0x80, v4;
	_ =	sdelay $0x3  }
0x138: {  	[tilespmem:v5+s18+$0x0] =	vst.idx.msk vm0, v6  }
0x139: {  	v6 =	vor.u32 $0x80, v5;
	v3 =	vld.idx.msk [tilespmem:v3+s17+$0x0], $0xffff  }
0x13a: {  	v7 =	vor.u32 $0x100, v4;
	_ =	sdelay $0x3  }
0x13b: {  	[tilespmem:v6+s18+$0x0] =	vst.idx.msk vm0, v3  }
0x13c: {  	v6 =	vor.u32 $0x100, v5;
	v3 =	vld.idx.msk [tilespmem:v7+s17+$0x0], $0xffff  }
0x13d: {  	v7 =	vor.u32 $0x180, v4;
	_ =	sdelay $0x3  }
0x13e: {  	[tilespmem:v6+s18+$0x0] =	vst.idx.msk vm0, v3  }
0x13f: {  	v6 =	vor.u32 $0x180, v5;
	v3 =	vld.idx.msk [tilespmem:v7+s17+$0x0], $0xffff  }
0x140: {  	v7 =	vor.u32 $0x200, v4;
	_ =	sdelay $0x3  }
0x141: {  	[tilespmem:v6+s18+$0x0] =	vst.idx.msk vm0, v3  }
0x142: {  	v6 =	vor.u32 $0x200, v5;
	v3 =	vld.idx.msk [tilespmem:v7+s17+$0x0], $0xffff  }
0x143: {  	v7 =	vor.u32 $0x280, v4;
	_ =	sdelay $0x3  }
0x144: {  	[tilespmem:v6+s18+$0x0] =	vst.idx.msk vm0, v3  }
0x145: {  	v6 =	vor.u32 $0x280, v5;
	v3 =	vld.idx.msk [tilespmem:v7+s17+$0x0], $0xffff  }
0x146: {  	v7 =	vor.u32 $0x300, v4;
	_ =	sdelay $0x3  }
0x147: {  	[tilespmem:v6+s18+$0x0] =	vst.idx.msk vm0, v3  }
0x148: {  	v6 =	vor.u32 $0x300, v5;
	v3 =	vld.idx.msk [tilespmem:v7+s17+$0x0], $0xffff  }
0x149: {  	v4 =	vor.u32 $0x380, v4;
	_ =	sdelay $0x3  }
0x14a: {  	p1 =	sne.s32 s0, $0x1;
	[tilespmem:v6+s18+$0x0] =	vst.idx.msk vm0, v3  }
.Ltmp19:
0x14b: {  	v3 =	vld.idx.msk [tilespmem:v4+s17+$0x0], $0xffff;
	v4 =	vor.u32 $0x380, v5;
	(pc) =	sbr.rel @!p1 .LBB2_26-.Ltmp19, $4  }
0x14c: {  	_ = 	snop  }
0x14d: {  	s26 =	simm.s32 $0x80  }
0x14e: {  	s0 =	sadd.s32 $0xFFFFFFFF, s0;
	s29 =	simm.s32 $0x10;
	s31 =	sand.u32 $0xFFFFFC00, s26  }
0x14f: {  	p0 =	por $0x1, $0x1;
	s1 =	sand.u32 $0x70, s29;
	s10 =	sadd.s32 s31, s28  }
.LBB2_25:
0x150: {  	p1 =	sne.s32 s0, $0x1;
	s0 =	sadd.s32 $0xFFFFFFFF, s0;
	s1 =	sadd.s32 s1, s10;
	[tilespmem:v4+s18+$0x0] =	vst.idx.msk vm0, v3  }
0x151: {  	v3 =	vld [tilespmem:s1+$0x0];
	_ =	sdelay $0x4  }
0x152: {  	v4 =	vand.u32 $0xFFF, v3;
	v5 =	vshll.u32 v3, $0x3  }
0x153: {  	v5 =	vand.u32 $0x7C00, v5;
	_ =	sdelay $0x3  }
0x154: {  	v4 =	vld.idx.msk [tilespmem:v4+s16+$0x0], $0xffff;
	_ =	sdelay $0x5  }
0x155: {  	v4 =	vsub.s32 v4, v2  }
0x156: {  	vm0 =	vgt.s32 v4, $0x0  }
0x157: {  	v4 =	vnsel vm0, $0x0, v4  }
0x158: {  	v4 =	vmin.u32 v4, $0x107F  }
0x159: {  	v6 =	vshll.u32 v4, $0x3  }
0x15a: {  	v4 =	vand.u32 $0x7F, v4;
	v6 =	vand.u32 $0xFC00, v6  }
0x15b: {  	v4 =	vor.u32 v4, v6;
	_ =	sdelay $0x3  }
0x15c: {  	v6 =	vor.u32 s29, v0  }
0x15d: {  	v3 =	vand.u32 $0x7F, v3;
	vm0 =	vlt.s32 v6, v1;
	v6 =	vld.idx.msk [tilespmem:v4+s17+$0x0], $0xffff  }
0x15e: {  	v5 =	vor.u32 v3, v5  }
0x15f: {  	v3 =	vor.u32 $0x80, v4;
	_ =	sdelay $0x3  }
0x160: {  	[tilespmem:v5+s18+$0x0] =	vst.idx.msk vm0, v6  }
0x161: {  	v3 =	vld.idx.msk [tilespmem:v3+s17+$0x0], $0xffff  }
0x162: {  	v6 =	vor.u32 $0x80, v5  }
0x163: {  	v7 =	vor.u32 $0x100, v4;
	_ =	sdelay $0x3  }
0x164: {  	[tilespmem:v6+s18+$0x0] =	vst.idx.msk vm0, v3  }
0x165: {  	v3 =	vld.idx.msk [tilespmem:v7+s17+$0x0], $0xffff  }
0x166: {  	v6 =	vor.u32 $0x100, v5  }
0x167: {  	v7 =	vor.u32 $0x180, v4;
	_ =	sdelay $0x3  }
0x168: {  	[tilespmem:v6+s18+$0x0] =	vst.idx.msk vm0, v3  }
0x169: {  	v3 =	vld.idx.msk [tilespmem:v7+s17+$0x0], $0xffff  }
0x16a: {  	v6 =	vor.u32 $0x180, v5  }
0x16b: {  	v7 =	vor.u32 $0x200, v4;
	_ =	sdelay $0x3  }
0x16c: {  	[tilespmem:v6+s18+$0x0] =	vst.idx.msk vm0, v3  }
0x16d: {  	v3 =	vld.idx.msk [tilespmem:v7+s17+$0x0], $0xffff  }
0x16e: {  	v6 =	vor.u32 $0x200, v5  }
0x16f: {  	v7 =	vor.u32 $0x280, v4;
	_ =	sdelay $0x3  }
0x170: {  	[tilespmem:v6+s18+$0x0] =	vst.idx.msk vm0, v3  }
0x171: {  	v3 =	vld.idx.msk [tilespmem:v7+s17+$0x0], $0xffff  }
0x172: {  	v6 =	vor.u32 $0x280, v5  }
0x173: {  	v7 =	vor.u32 $0x300, v4;
	_ =	sdelay $0x3  }
0x174: {  	[tilespmem:v6+s18+$0x0] =	vst.idx.msk vm0, v3  }
0x175: {  	v3 =	vld.idx.msk [tilespmem:v7+s17+$0x0], $0xffff  }
0x176: {  	v6 =	vor.u32 $0x300, v5  }
0x177: {  	v4 =	vor.u32 $0x380, v4;
	_ =	sdelay $0x3  }
0x178: {  	[tilespmem:v6+s18+$0x0] =	vst.idx.msk vm0, v3  }
0x179: {  	v3 =	vld.idx.msk [tilespmem:v4+s17+$0x0], $0xffff  }
.Ltmp20:
0x17a: {  	v4 =	vor.u32 $0x380, v5;
	(pc) =	sbr.rel @p1 .LBB2_25-.Ltmp20, $4  }
0x17b: {  	_ = 	snop  }
0x17c: {  	s26 =	sadd.s32 $0x80, s26  }
0x17d: {  	s10 =	sand.u32 $0xFFFFFC00, s26;
	s29 =	sadd.s32 $0x10, s29  }
0x17e: {  	s10 =	sadd.s32 s10, s28;
	s1 =	sand.u32 $0x70, s29  }
.LBB2_26:
0x17f: {  	_ =	sdelay $0x4  }
0x180: {  	s0 =	sadd.s32 s1, s10;
	[tilespmem:v4+s18+$0x0] =	vst.idx.msk @p0 vm0, v3  }
0x181: {  	v3 =	vld [tilespmem:s0+$0x0];
	_ =	sdelay $0x4  }
0x182: {  	v49 =	vand.u32 $0xFFF, v3;
	_ =	sdelay $0x4  }
0x183: {  	v4 =	vld.idx.msk [tilespmem:v49+s16+$0x0], $0xffff;
	_ =	sdelay $0x4  }
0x184: {  	v2 =	vsub.s32 v4, v2  }
0x185: {  	vm14 =	vgt.s32 v2, $0x0  }
0x186: {  	v2 =	vnsel vm14, $0x0, v2  }
0x187: {  	v2 =	vmin.u32 v2, $0x107F  }
0x188: {  	v50 =	vshll.u32 v2, $0x3  }
0x189: {  	v2 =	vand.u32 $0x7F, v2;
	v4 =	vand.u32 $0xFC00, v50  }
0x18a: {  	v2 =	vor.u32 v2, v4;
	_ =	sdelay $0x2  }
0x18b: {  	v5 =	vor.u32 s29, v0;
	v51 =	vshll.u32 v3, $0x3  }
0x18c: {  	vm15 =	vlt.s32 v5, v1;
	v1 =	vand.u32 $0x7F, v3;
	v4 =	vand.u32 $0x7C00, v51  }
0x18d: {  	v1 =	vor.u32 v1, v4;
	v3 =	vld.idx.msk [tilespmem:v2+s17+$0x0], $0xffff  }
0x18e: {  	v52 =	vor.u32 $0x80, v2;
	_ =	sdelay $0x3  }
0x18f: {  	[tilespmem:v1+s18+$0x0] =	vst.idx.msk vm15, v3  }
0x190: {  	v53 =	vor.u32 $0x80, v1;
	v3 =	vld.idx.msk [tilespmem:v52+s17+$0x0], $0xffff  }
0x191: {  	v54 =	vor.u32 $0x100, v2;
	_ =	sdelay $0x3  }
0x192: {  	[tilespmem:v53+s18+$0x0] =	vst.idx.msk vm15, v3  }
0x193: {  	v55 =	vor.u32 $0x100, v1;
	v3 =	vld.idx.msk [tilespmem:v54+s17+$0x0], $0xffff  }
0x194: {  	v56 =	vor.u32 $0x180, v2;
	_ =	sdelay $0x3  }
0x195: {  	[tilespmem:v55+s18+$0x0] =	vst.idx.msk vm15, v3  }
0x196: {  	v57 =	vor.u32 $0x180, v1;
	v3 =	vld.idx.msk [tilespmem:v56+s17+$0x0], $0xffff  }
0x197: {  	v58 =	vor.u32 $0x200, v2;
	_ =	sdelay $0x3  }
0x198: {  	[tilespmem:v57+s18+$0x0] =	vst.idx.msk vm15, v3  }
0x199: {  	v59 =	vor.u32 $0x200, v1;
	v3 =	vld.idx.msk [tilespmem:v58+s17+$0x0], $0xffff  }
0x19a: {  	v60 =	vor.u32 $0x280, v2;
	_ =	sdelay $0x3  }
0x19b: {  	[tilespmem:v59+s18+$0x0] =	vst.idx.msk vm15, v3  }
0x19c: {  	v61 =	vor.u32 $0x280, v1;
	v3 =	vld.idx.msk [tilespmem:v60+s17+$0x0], $0xffff  }
0x19d: {  	v62 =	vor.u32 $0x300, v2;
	_ =	sdelay $0x3  }
0x19e: {  	[tilespmem:v61+s18+$0x0] =	vst.idx.msk vm15, v3  }
0x19f: {  	v63 =	vor.u32 $0x300, v1;
	v3 =	vld.idx.msk [tilespmem:v62+s17+$0x0], $0xffff  }
0x1a0: {  	v2 =	vor.u32 $0x380, v2;
	_ =	sdelay $0x3  }
0x1a1: {  	[tilespmem:v63+s18+$0x0] =	vst.idx.msk vm15, v3  }
0x1a2: {  	v1 =	vor.u32 $0x380, v1;
	v2 =	vld.idx.msk [tilespmem:v2+s17+$0x0], $0xffff;
	_ =	sdelay $0x4  }
0x1a3: {  	[tilespmem:v1+s18+$0x0] =	vst.idx.msk vm15, v2  }
.LBB2_27:
0x1a4: {  	p0 =	sne.s32 s25, $0x17  }
.Ltmp21:
0x1a5: {  	_ = 	snop;
	(pc) =	sbr.rel @p0 .LBB2_32-.Ltmp21, $1  }
0x1a6: {  	_ =	sdelay $0x3  }
0x1a7: {  	p1 =	slt.s32 s22, $0x1  }
.Ltmp22:
0x1a8: {  	_ = 	snop;
	(pc) =	sbr.rel @p1 .LBB2_31-.Ltmp22, $2  }
0x1a9: {  	_ =	sdelay $0x2  }
0x1aa: {  	p0 =	sgt.u32 s23, $0x17  }
0x1ab: {  	s0 =	simm.s32 $0x8  }
0x1ac: {  	s0 =	simm.s32 @!p0 $0x0  }
0x1ad: {  	v1 =	vmov s24;
	s23 =	simm.s32 $0x0;
	v2 =	vmov s0;
	s0 =	simm.s32 $0x0  }
.LBB2_30:
0x1ae: {  	s1 =	sand.u32 $0x70, s0;
	s10 =	sand.u32 $0xFFFFFC00, s23  }
0x1af: {  	s1 =	sor.u32 s1, s10  }
0x1b0: {  	v3 =	vld [tilespmem:s1+$0x15580];
	_ =	sdelay $0x4  }
0x1b1: {  	v4 =	vand.u32 $0xFFF, v3;
	_ =	sdelay $0x4  }
0x1b2: {  	v4 =	vld.idx.msk [tilespmem:v4+s16+$0x0], $0xffff;
	_ =	sdelay $0x4  }
0x1b3: {  	v5 =	vadd.s32 $0xFFFE7980, v4  }
0x1b4: {  	vm0 =	vgt.s32 v5, $0x0  }
0x1b5: {  	v5 =	vnsel vm0, $0x0, v5  }
0x1b6: {  	v5 =	vmin.u32 v5, $0x1F  }
0x1b7: {  	v5 =	vshll.u32 v5, $0x4  }
0x1b8: {  	v5 =	vor.u32 v2, v5;
	_ =	sdelay $0x1  }
0x1b9: {  	v6 =	vor.u32 s0, v0  }
0x1ba: {  	vm15 =	vlt.s32 v6, v1;
	v51 =	vshll.u32 v3, $0x3;
	vm1 =	vgt.s32 v4, $0x1867F  }
0x1bb: {  	v3 =	vand.u32 $0x7F, v3;
	v4 =	vand.u32 $0x7C00, v51;
	vm0 =	vmand vm15, vm1  }
0x1bc: {  	v3 =	vor.u32 v3, v4;
	v52 =	vld.idx.msk [tilespmem:v5+s14+$0x0], $0xffff  }
0x1bd: {  	v53 =	vor.u32 $0x1, v5;
	_ =	sdelay $0x3  }
0x1be: {  	[tilespmem:v3+s18+$0x0] =	vst.idx.msk vm0, v52  }
0x1bf: {  	v54 =	vor.u32 $0x80, v3;
	v4 =	vld.idx.msk [tilespmem:v53+s14+$0x0], $0xffff  }
0x1c0: {  	v7 =	vor.u32 $0x2, v5;
	_ =	sdelay $0x3  }
0x1c1: {  	[tilespmem:v54+s18+$0x0] =	vst.idx.msk vm0, v4  }
0x1c2: {  	v55 =	vor.u32 $0x100, v3;
	v4 =	vld.idx.msk [tilespmem:v7+s14+$0x0], $0xffff  }
0x1c3: {  	v56 =	vor.u32 $0x3, v5;
	_ =	sdelay $0x3  }
0x1c4: {  	[tilespmem:v55+s18+$0x0] =	vst.idx.msk vm0, v4  }
0x1c5: {  	v57 =	vor.u32 $0x180, v3;
	v4 =	vld.idx.msk [tilespmem:v56+s14+$0x0], $0xffff  }
0x1c6: {  	v58 =	vor.u32 $0x4, v5;
	_ =	sdelay $0x3  }
0x1c7: {  	[tilespmem:v57+s18+$0x0] =	vst.idx.msk vm0, v4  }
0x1c8: {  	v59 =	vor.u32 $0x200, v3;
	v4 =	vld.idx.msk [tilespmem:v58+s14+$0x0], $0xffff  }
0x1c9: {  	v60 =	vor.u32 $0x5, v5;
	_ =	sdelay $0x3  }
0x1ca: {  	[tilespmem:v59+s18+$0x0] =	vst.idx.msk vm0, v4  }
0x1cb: {  	v61 =	vor.u32 $0x280, v3;
	v4 =	vld.idx.msk [tilespmem:v60+s14+$0x0], $0xffff  }
0x1cc: {  	v62 =	vor.u32 $0x6, v5;
	_ =	sdelay $0x3  }
0x1cd: {  	[tilespmem:v61+s18+$0x0] =	vst.idx.msk vm0, v4  }
0x1ce: {  	v63 =	vor.u32 $0x300, v3;
	v4 =	vld.idx.msk [tilespmem:v62+s14+$0x0], $0xffff  }
0x1cf: {  	v5 =	vor.u32 $0x7, v5;
	_ =	sdelay $0x3  }
0x1d0: {  	[tilespmem:v63+s18+$0x0] =	vst.idx.msk vm0, v4  }
0x1d1: {  	p1 =	sne.s32 s22, $0x1;
	v3 =	vor.u32 $0x380, v3;
	v4 =	vld.idx.msk [tilespmem:v5+s14+$0x0], $0xffff  }
.Ltmp23:
0x1d2: {  	_ = 	snop;
	(pc) =	sbr.rel @p1 .LBB2_30-.Ltmp23, $2  }
0x1d3: {  	_ =	sdelay $0x2  }
0x1d4: {  	s23 =	sadd.s32 $0x80, s23;
	s0 =	sadd.s32 $0x10, s0;
	s22 =	sadd.s32 $0xFFFFFFFF, s22;
	[tilespmem:v3+s18+$0x0] =	vst.idx.msk vm0, v4  }
.Ltmp24:
0x1d5: {  	_ = 	snop;
	(pc) =	sbr.rel .LBB2_31-.Ltmp24, $1  }
0x1d6: {  	_ =	sdelay $0x3  }
.LBB2_23:
.Ltmp25:
0x1d7: {  	(pc) =	sbr.rel .LBB2_26-.Ltmp25, $2  }
0x1d8: {  	_ =	sdelay $0x2  }
0x1d9: {  	_ = 	snop  }
.LBB2_16:
.Ltmp26:
0x1da: {  	(pc) =	sbr.rel .LBB2_19-.Ltmp26, $2  }
0x1db: {  	_ =	sdelay $0x2  }
0x1dc: {  	_ = 	snop  }
.LBB2_34:
0x1dd: {  	_ =	sfence.sel $0x180000  }
0x1de: {  	[bflag:$0x0] =	sbarrier.arrive $0xFFFF  }
0x1df: {  	_ =	strace $0x90000047  }
0x1e0: {  	s0 =	stileid.u32;
	[bflag:$0x2] =	sbarrier.arrive $0xFFFF  }
0x1e1: {  	p0 =	sne.s32 s0, $0x0;
	s0 =	rddreg [dreg:$0x2]  }
0x1e2: {  	s0 =	sadd.s32 @!p0 $0x100000, s0  }
0x1e3: {  	[sflag:s0] =	ssyncadd.tile.s32 @!p0 $0x1;
	_ =	shalt  }
.Lfunc_end2:
_tile_overlayer_lowered:
.L_overlay_start_2:
0x1e4: {  	(tag) =	ssettag $0x2  }
0x1e5: {  	s0 =	rddreg [dreg:$0x0];
	s2 =	stileid.u32  }
0x1e6: {  	s1 =	rddreg [dreg:$0x1];
	p0 =	sne.s32 s2, $0x0  }
0x1e7: {  	s3 =	rddreg [dreg:$0x2];
	[bflag:$0x3] =	sbarrier.arrive $0xFFFF;
	s2 =	simm.s32 @!p0 $0x1C03  }
0x1e8: {  	[timem:s3], [sflag:s2] =	dma.local @!p0 [hbm:s0], s1  }
0x1e9: {  	s0 =	simm.s32 @!p0 $0x3  }
0x1ea: {  	_ =	swait.ge @!p0 [sflag:s0], s1  }
0x1eb: {  	s1 =	ssub.s32 @!p0 $0x0, s1;
	[sflag:s0] =	ssyncset.done @!p0 $0x0  }
0x1ec: {  	[sflag:s0] =	ssyncadd.s32 @!p0 s1  }
0x1ed: {  	[bflag:$0x3] =	sbarrier.arrive $0xFFFF  }
0x1ee: {  	_ =	shalt  }

</sc_bundles>
